<compile_context>
chip_gen: v7x
topology: tpu7x:2x2x1
jax: 0.10.2.dev20260603
libtpu: 0.0.44.dev20260713+nightly
codegen_flags: <defaults>
</compile_context>

<pallas_src>
import functools

import jax
import jax.numpy as jnp
from jax import lax
from jax.experimental import pallas as pl
from jax.experimental.pallas import tpu as pltpu
from jax.experimental.pallas import tpu_sc as plsc

N = 8192
KNN = 16
CIN = 256
MID = 256
COUT = 256
SHARE = 8
WDIM = MID // SHARE
EPS = 1e-5

_QKV_BLK = 512
_TOPK_BLK = 256
_FUSE_BLK = 256
_GCHUNK = 128


def _bdot(a, b):
    return jnp.dot(a.astype(jnp.bfloat16), b.astype(jnp.bfloat16),
                   preferred_element_type=jnp.float32)


def _qkv_body(x_ref, wq_ref, bq_ref, wk_ref, bk_ref, wv_ref, bv_ref,
              q_ref, k_ref, v_ref):
    x = x_ref[:].astype(jnp.bfloat16)
    q_ref[:] = jnp.dot(x, wq_ref[:].astype(jnp.bfloat16), preferred_element_type=jnp.float32) + bq_ref[:]
    k_ref[:] = jnp.dot(x, wk_ref[:].astype(jnp.bfloat16), preferred_element_type=jnp.float32) + bk_ref[:]
    v_ref[:] = jnp.dot(x, wv_ref[:].astype(jnp.bfloat16), preferred_element_type=jnp.float32) + bv_ref[:]


def _qkv(x, wqT, bq, wkT, bk, wvT, bv, interpret=False):
    nblk = N // _QKV_BLK
    full = lambda i: (0, 0)
    row = lambda i: (i, 0)
    return pl.pallas_call(
        _qkv_body,
        grid=(nblk,),
        in_specs=[
            pl.BlockSpec((_QKV_BLK, CIN), row),
            pl.BlockSpec((CIN, MID), full),
            pl.BlockSpec((1, MID), full),
            pl.BlockSpec((CIN, MID), full),
            pl.BlockSpec((1, MID), full),
            pl.BlockSpec((CIN, COUT), full),
            pl.BlockSpec((1, COUT), full),
        ],
        out_specs=[
            pl.BlockSpec((_QKV_BLK, MID), row),
            pl.BlockSpec((_QKV_BLK, MID), row),
            pl.BlockSpec((_QKV_BLK, COUT), row),
        ],
        out_shape=[
            jax.ShapeDtypeStruct((N, MID), jnp.float32),
            jax.ShapeDtypeStruct((N, MID), jnp.float32),
            jax.ShapeDtypeStruct((N, COUT), jnp.float32),
        ],
        interpret=interpret,
    )(x, wqT, bq, wkT, bk, wvT, bv)


def _topk_body(p_ref, pT_ref, idx_ref):
    p_blk = p_ref[:]
    px = p_blk[:, 0:1]
    py = p_blk[:, 1:2]
    pz = p_blk[:, 2:3]
    tx = pT_ref[0:1, :]
    ty = pT_ref[1:2, :]
    tz = pT_ref[2:3, :]
    dot = jnp.dot(p_blk.astype(jnp.bfloat16), pT_ref[:].astype(jnp.bfloat16),
                  preferred_element_type=jnp.float32)
    sqb = (px * px + py * py) + pz * pz
    sqa = (tx * tx + ty * ty) + tz * tz
    d2 = (sqb + sqa) - 2.0 * dot

    cols = lax.broadcasted_iota(jnp.int32, d2.shape, 1)
    work = d2
    picks = []
    for n in range(KNN):
        j = jnp.argmin(work, axis=1).reshape(-1, 1).astype(jnp.int32)
        picks.append(j)
        if n < KNN - 1:
            work = jnp.where(cols == j, jnp.float32(jnp.inf), work)
    idx_ref[:] = jnp.concatenate(picks, axis=1)


def _topk(p_rows, pT8, interpret=False):
    nrows = p_rows.shape[0]
    nblk = nrows // _TOPK_BLK
    return pl.pallas_call(
        _topk_body,
        grid=(nblk,),
        in_specs=[
            pl.BlockSpec((_TOPK_BLK, 8), lambda i: (i, 0)),
            pl.BlockSpec((8, N), lambda i: (0, 0)),
        ],
        out_specs=pl.BlockSpec((_TOPK_BLK, KNN), lambda i: (i, 0)),
        out_shape=jax.ShapeDtypeStruct((nrows, KNN), jnp.int32),
        interpret=interpret,
    )(p_rows, pT8)


def _sc_gather(idx_flat, xk, xv, pfat):
    info = plsc.get_sparse_core_info()
    nw = info.num_cores * info.num_subcores
    total = idx_flat.shape[0]
    per_w = total // nw
    nchunk = per_w // _GCHUNK
    mesh = plsc.VectorSubcoreMesh(core_axis_name="c", subcore_axis_name="s")

    @functools.partial(
        pl.kernel,
        mesh=mesh,
        compiler_params=pltpu.CompilerParams(use_tc_tiling_on_sc=False),
        out_type=[
            jax.ShapeDtypeStruct((total, MID), jnp.float32),
            jax.ShapeDtypeStruct((total, COUT), jnp.float32),
            jax.ShapeDtypeStruct((total, 16), jnp.float32),
        ],
        scratch_types=[
            pltpu.VMEM((_GCHUNK,), jnp.int32),
            pltpu.VMEM((_GCHUNK, MID), jnp.float32),
            pltpu.VMEM((_GCHUNK, COUT), jnp.float32),
            pltpu.VMEM((_GCHUNK, 16), jnp.float32),
            pltpu.SemaphoreType.DMA,
            pltpu.SemaphoreType.DMA,
            pltpu.SemaphoreType.DMA,
        ],
    )
    def gather_kernel(idx_hbm, xk_hbm, xv_hbm, pf_hbm,
                      kg_hbm, vg_hbm, pg_hbm,
                      idx_v, kbuf, vbuf, pbuf, sem_k, sem_v, sem_p):
        wid = lax.axis_index("s") * info.num_cores + lax.axis_index("c")
        base = wid * per_w

        def body(c, carry):
            off = base + c * _GCHUNK
            pltpu.sync_copy(idx_hbm.at[pl.ds(off, _GCHUNK)], idx_v)
            ck = pltpu.async_copy(xk_hbm.at[idx_v], kbuf, sem_k)
            cv = pltpu.async_copy(xv_hbm.at[idx_v], vbuf, sem_v)
            cp = pltpu.async_copy(pf_hbm.at[idx_v], pbuf, sem_p)
            ck.wait()
            cv.wait()
            cp.wait()
            pltpu.sync_copy(kbuf, kg_hbm.at[pl.ds(off, _GCHUNK)])
            pltpu.sync_copy(vbuf, vg_hbm.at[pl.ds(off, _GCHUNK)])
            pltpu.sync_copy(pbuf, pg_hbm.at[pl.ds(off, _GCHUNK)])
            return carry

        lax.fori_loop(0, nchunk, body, 0)

    return gather_kernel(idx_flat, xk, xv, pfat)


def _fuse_body(kg_ref, vg_ref, pg_ref, q_ref, pf_ref,
               a1_ref, c1_ref, a2_ref, c2_ref,
               s1_ref, h1_ref, b1_ref, d1_ref, b2_ref, d2_ref,
               out_ref):
    q = q_ref[:]
    pf = pf_ref[:]
    a1 = a1_ref[:]
    c1 = c1_ref[:]
    a2 = a2_ref[:]
    c2 = c2_ref[:]
    s1 = s1_ref[:]
    h1 = h1_ref[:]
    b1 = b1_ref[:]
    d1 = d1_ref[:]
    b2 = b2_ref[:]
    d2 = d2_ref[:]

    prs = []
    ws = []
    for n in range(KNN):
        pr_in = pg_ref[n] - pf
        t = jnp.dot(pr_in, a1, preferred_element_type=jnp.float32) + c1
        t = jnp.maximum(t, 0.0)
        pr_n = jnp.dot(t, a2, preferred_element_type=jnp.float32) + c2
        prs.append(pr_n)
        wn = (kg_ref[n] - q + pr_n) * s1 + h1
        wn = jnp.maximum(wn, 0.0)
        wn = _bdot(wn, b1) + d1
        wn = jnp.maximum(wn, 0.0)
        wn = _bdot(wn, b2) + d2
        ws.append(wn)

    m = ws[0]
    for n in range(1, KNN):
        m = jnp.maximum(m, ws[n])
    es = [jnp.exp(ws[n] - m) for n in range(KNN)]
    ssum = es[0]
    for n in range(1, KNN):
        ssum = ssum + es[n]

    bn = q.shape[0]
    acc = None
    for n in range(KNN):
        wsm = es[n] / ssum
        wtile = jnp.concatenate([wsm] * SHARE, axis=1)
        term = (vg_ref[n] + prs[n]) * wtile
        acc = term if acc is None else acc + term
    out_ref[:] = acc


def _fuse(kg3, vg3, pg3, q, pfat, a1, c1, a2, c2, s1, h1, b1, d1, b2, d2,
          interpret=False):
    nrows = q.shape[0]
    nblk = nrows // _FUSE_BLK
    full = lambda i: (0, 0)
    slab = lambda i: (0, i, 0)
    row = lambda i: (i, 0)
    return pl.pallas_call(
        _fuse_body,
        grid=(nblk,),
        in_specs=[
            pl.BlockSpec((KNN, _FUSE_BLK, MID), slab),
            pl.BlockSpec((KNN, _FUSE_BLK, COUT), slab),
            pl.BlockSpec((KNN, _FUSE_BLK, 16), slab),
            pl.BlockSpec((_FUSE_BLK, MID), row),
            pl.BlockSpec((_FUSE_BLK, 16), row),
            pl.BlockSpec((16, 16), full),
            pl.BlockSpec((1, 16), full),
            pl.BlockSpec((16, COUT), full),
            pl.BlockSpec((1, COUT), full),
            pl.BlockSpec((1, MID), full),
            pl.BlockSpec((1, MID), full),
            pl.BlockSpec((MID, WDIM), full),
            pl.BlockSpec((1, WDIM), full),
            pl.BlockSpec((WDIM, WDIM), full),
            pl.BlockSpec((1, WDIM), full),
        ],
        out_specs=pl.BlockSpec((_FUSE_BLK, COUT), row),
        out_shape=jax.ShapeDtypeStruct((nrows, COUT), jnp.float32),
        interpret=interpret,
    )(kg3, vg3, pg3, q, pfat, a1, c1, a2, c2, s1, h1, b1, d1, b2, d2)


def _prep_params(wq, bq, wk, bk, wv, bv, wp1, bp1, gp, betap, mp, vp,
                 wp2, bp2, g1, beta1, m1, v1, ww1, bw1, g2, beta2, m2, v2,
                 ww2, bw2):
    sp = gp / jnp.sqrt(vp + EPS)
    hp = betap - mp * sp
    s1 = g1 / jnp.sqrt(v1 + EPS)
    h1 = beta1 - m1 * s1
    s2 = g2 / jnp.sqrt(v2 + EPS)
    h2 = beta2 - m2 * s2

    a1 = jnp.zeros((16, 16), jnp.float32).at[:3, :3].set(wp1.T * sp[None, :])
    c1 = jnp.zeros((1, 16), jnp.float32).at[0, :3].set(bp1 * sp + hp)
    a2 = jnp.zeros((16, COUT), jnp.float32).at[:3, :].set(wp2.T)
    c2 = bp2.reshape(1, COUT)

    b1 = ww1.T * s2[None, :]
    d1 = (bw1 * s2 + h2).reshape(1, WDIM)
    b2 = ww2.T
    d2 = bw2.reshape(1, WDIM)
    return (wq.T, bq.reshape(1, MID), wk.T, bk.reshape(1, MID),
            wv.T, bv.reshape(1, COUT),
            a1, c1, a2, c2, s1.reshape(1, MID), h1.reshape(1, MID),
            b1, d1, b2, d2)


def kernel(p, x, o, wq, bq, wk, bk, wv, bv, wp1, bp1, gp, betap, mp, vp,
           wp2, bp2, g1, beta1, m1, v1, ww1, bw1, g2, beta2, m2, v2,
           ww2, bw2):
    (wqT, bq2, wkT, bk2, wvT, bv2, a1, c1, a2, c2, s1, h1,
     b1, d1, b2, d2) = _prep_params(
        wq, bq, wk, bk, wv, bv, wp1, bp1, gp, betap, mp, vp, wp2, bp2,
        g1, beta1, m1, v1, ww1, bw1, g2, beta2, m2, v2, ww2, bw2)

    pT8 = jnp.zeros((8, N), jnp.float32).at[:3, :].set(p.T)
    pfat = jnp.zeros((N, 16), jnp.float32).at[:, :3].set(p)

    H = N // 2
    p8 = pfat[:, :8]
    idx0 = _topk(p8[:H], pT8)
    q, k, v = _qkv(x, wqT, bq2, wkT, bk2, wvT, bv2)
    g0 = _sc_gather(idx0.T.reshape(-1), k, v, pfat)
    idx1 = _topk(p8[H:], pT8)
    g1 = _sc_gather(idx1.T.reshape(-1), k, v, pfat)

    outs = []
    for h, (kg, vg, pg) in enumerate((g0, g1)):
        kg3 = kg.reshape(KNN, H, MID)
        vg3 = vg.reshape(KNN, H, COUT)
        pg3 = pg.reshape(KNN, H, 16)
        sl = slice(h * H, (h + 1) * H)
        outs.append(_fuse(kg3, vg3, pg3, q[sl], pfat[sl], a1, c1, a2, c2,
                          s1, h1, b1, d1, b2, d2))
    return jnp.concatenate(outs, axis=0)

# --- scband reference (transcript-rebuilt; emitter-appended) ---
"""Pipeline reference for scband-point-transformer-layer-20890720928292 (READ-ONLY COPY).

The authoritative reference and input builder live on the scoring server;
editing this copy changes nothing except your own understanding.
"""

import jax, jax.numpy as jnp
import numpy as np

N = 8192
C_IN = 256
C_OUT = 256
MID = 256
SHARE = 8
NSAMPLE = 16
EPS = 1e-5


def _lin_init(k, o, i):
    s = 1.0 / np.sqrt(i)
    kw, kb = jax.random.split(k)
    w = jax.random.uniform(kw, (o, i), minval=-s, maxval=s).astype(jnp.float32)
    b = jax.random.uniform(kb, (o,), minval=-s, maxval=s).astype(jnp.float32)
    return w, b


def setup_inputs(seed: int = 0):
    key = jax.random.key(seed)
    ks = jax.random.split(key, 12)
    inp = {}
    inp['p'] = jax.random.uniform(ks[0], (N, 3), dtype=jnp.float32) * 10.0
    inp['x'] = jax.random.normal(ks[1], (N, C_IN), dtype=jnp.float32)
    inp['o'] = jnp.array([N], dtype=jnp.int32)
    inp['wq'], inp['bq'] = _lin_init(ks[2], MID, C_IN)
    inp['wk'], inp['bk'] = _lin_init(ks[3], MID, C_IN)
    inp['wv'], inp['bv'] = _lin_init(ks[4], C_OUT, C_IN)
    inp['wp1'], inp['bp1'] = _lin_init(ks[5], 3, 3)
    inp['gp'] = jnp.ones((3,), jnp.float32); inp['betap'] = jnp.zeros((3,), jnp.float32)
    inp['mp'] = jnp.zeros((3,), jnp.float32); inp['vp'] = jnp.ones((3,), jnp.float32)
    inp['wp2'], inp['bp2'] = _lin_init(ks[6], C_OUT, 3)
    inp['g1'] = jnp.ones((MID,), jnp.float32); inp['beta1'] = jnp.zeros((MID,), jnp.float32)
    inp['m1'] = jnp.zeros((MID,), jnp.float32); inp['v1'] = jnp.ones((MID,), jnp.float32)
    inp['ww1'], inp['bw1'] = _lin_init(ks[7], MID // SHARE, MID)
    inp['g2'] = jnp.ones((MID // SHARE,), jnp.float32); inp['beta2'] = jnp.zeros((MID // SHARE,), jnp.float32)
    inp['m2'] = jnp.zeros((MID // SHARE,), jnp.float32); inp['v2'] = jnp.ones((MID // SHARE,), jnp.float32)
    inp['ww2'], inp['bw2'] = _lin_init(ks[8], C_OUT // SHARE, C_OUT // SHARE)
    return inp


def _bn(t, g, b, m, v):
    # eval-mode BatchNorm1d over channel (last) axis
    return (t - m) / jnp.sqrt(v + EPS) * g + b


def _knn_idx(p, k):
    # brute-force kNN (equivalent to pointops.knnquery for a single batch)
    sq = jnp.sum(p * p, axis=1)
    d2 = sq[:, None] + sq[None, :] - 2.0 * (p @ p.T)
    _, idx = jax.lax.top_k(-d2, k)
    return idx  # [N, k], includes self as nearest


def reference(p, x, o, wq, bq, wk, bk, wv, bv, wp1, bp1, gp, betap, mp, vp, wp2, bp2, g1, beta1, m1, v1, ww1, bw1, g2, beta2, m2, v2, ww2, bw2):
    idx = _knn_idx(p, NSAMPLE)
    x_q = x @ wq.T + bq
    x_k = x @ wk.T + bk
    x_v = x @ wv.T + bv
    # queryandgroup(use_xyz=True) -> relative xyz + grouped features
    p_r = p[idx] - p[:, None, :]          # [N, ns, 3]
    xk_g = x_k[idx]                        # [N, ns, MID]
    xv_g = x_v[idx]                        # [N, ns, C_OUT]
    # linear_p: Linear(3,3) -> BN(3) -> ReLU -> Linear(3, C_OUT)
    pr = p_r @ wp1.T + bp1
    pr = jax.nn.relu(_bn(pr, gp, betap, mp, vp))
    pr = pr @ wp2.T + bp2                  # [N, ns, C_OUT]
    w = xk_g - x_q[:, None, :] + pr.reshape(N, NSAMPLE, C_OUT // MID, MID).sum(axis=2)
    # linear_w: BN(MID) -> ReLU -> Linear(MID, MID//s) -> BN -> ReLU -> Linear
    w = jax.nn.relu(_bn(w, g1, beta1, m1, v1))
    w = w @ ww1.T + bw1
    w = jax.nn.relu(_bn(w, g2, beta2, m2, v2))
    w = w @ ww2.T + bw2
    w = jax.nn.softmax(w, axis=1)          # softmax over neighbors
    out = ((xv_g + pr).reshape(N, NSAMPLE, SHARE, C_OUT // SHARE) * w[:, :, None, :]).sum(axis=1).reshape(N, C_OUT)
    return out

if __name__ == "__main__":
    import jax
    _d = setup_inputs()
    print(jax.jit(kernel)(*tuple(_d.values())))

</pallas_src>

<mosaic_0001>
#map = affine_map<(d0, d1) -> (0)>
#map1 = affine_map<(d0, d1) -> (0, 0)>
module attributes {stable_mosaic.version = 14 : i64} {
  func.func @gather_kernel(%arg0: i32, %arg1: i32, %arg2: memref<65536xi32, #tpu.memory_space<hbm>>, %arg3: memref<8192x256xf32, #tpu.memory_space<hbm>>, %arg4: memref<8192x256xf32, #tpu.memory_space<hbm>>, %arg5: memref<8192x16xf32, #tpu.memory_space<hbm>>, %arg6: memref<65536x256xf32, #tpu.memory_space<hbm>>, %arg7: memref<65536x256xf32, #tpu.memory_space<hbm>>, %arg8: memref<65536x16xf32, #tpu.memory_space<hbm>>, %arg9: memref<128xi32, #tpu.memory_space<vmem>>, %arg10: memref<128x256xf32, #tpu.memory_space<vmem>>, %arg11: memref<128x256xf32, #tpu.memory_space<vmem>>, %arg12: memref<128x16xf32, #tpu.memory_space<vmem>>, %arg13: memref<!tpu.dma_semaphore, #tpu.memory_space<semaphore_mem>>, %arg14: memref<!tpu.dma_semaphore, #tpu.memory_space<semaphore_mem>>, %arg15: memref<!tpu.dma_semaphore, #tpu.memory_space<semaphore_mem>>) attributes {dimension_semantics = [#tpu.dimension_semantics<core_parallel>, #tpu.dimension_semantics<subcore_parallel>], iteration_bounds = array<i64: 2, 16>, scalar_prefetch = 0 : i64, scratch_operands = 7 : i64, tpu.core_type = #tpu.core_type<sc_vector_subcore>, window_params = [{transform_indices = #map}, {transform_indices = #map1}, {transform_indices = #map1}, {transform_indices = #map1}, {transform_indices = #map1}, {transform_indices = #map1}, {transform_indices = #map1}]} {
    %mul3A = arith.constant 2 : i32
    %mul3A_0 = arith.muli %arg1, %mul3A : i32
    %add3A = arith.addi %mul3A_0, %arg0 : i32
    %mul3A_1 = arith.constant 2048 : i32
    %mul3A_2 = arith.muli %add3A, %mul3A_1 : i32
    %scan3A = arith.constant 0 : i32
    %scan3A_3 = arith.constant 0 : i32
    %scan3A_4 = arith.constant 16 : i32
    %scan3A_5 = arith.addi %scan3A_3, %scan3A_4 : i32
    %scan3A_6 = arith.constant 1 : i32
    scf.for %scan3A_8 = %scan3A_3 to %scan3A_5 step %scan3A_6  : i32 {
      %mul3A_9 = arith.constant 128 : i32
      %mul3A_10 = arith.muli %scan3A_8, %mul3A_9 : i32
      %add3A_11 = arith.addi %mul3A_2, %mul3A_10 : i32
      "tpu.region"() ({
        %run_scoped3A = tpu.sem_alloc : memref<!tpu.dma_semaphore, #tpu.memory_space<semaphore_mem>>
        %dma_start3A_28 = tpu.memref_slice %arg2[%add3A_11] : memref<65536xi32, #tpu.memory_space<hbm>> -> memref<128xi32, #tpu.memory_space<hbm>>
        %dma_start3A_29 = tpu.memref_slice %arg2[%add3A_11] : memref<65536xi32, #tpu.memory_space<hbm>> -> memref<128xi32, #tpu.memory_space<hbm>>
        tpu.enqueue_dma source(%dma_start3A_29 : memref<128xi32, #tpu.memory_space<hbm>>) target(%arg9 : memref<128xi32, #tpu.memory_space<vmem>>) target_semaphore(%run_scoped3A : memref<!tpu.dma_semaphore, #tpu.memory_space<semaphore_mem>>)
        %dma_wait3A_30 = tpu.memref_slice %arg2[%add3A_11] : memref<65536xi32, #tpu.memory_space<hbm>> -> memref<128xi32, #tpu.memory_space<hbm>>
        %dma_wait3A_31 = tpu.memref_slice %arg2[%add3A_11] : memref<65536xi32, #tpu.memory_space<hbm>> -> memref<128xi32, #tpu.memory_space<hbm>>
        tpu.wait_dma2 semaphore(%run_scoped3A : memref<!tpu.dma_semaphore, #tpu.memory_space<semaphore_mem>>) src(%dma_wait3A_31 : memref<128xi32, #tpu.memory_space<hbm>>) dst(%arg9 : memref<128xi32, #tpu.memory_space<vmem>>)
        tpu.yield
      }) : () -> ()
      %dma_start3A = arith.constant 0 : i32
      %dma_start3A_12 = arith.constant 0 : i32
      %dma_start3A_13 = tpu.memref_slice %arg3[%dma_start3A, %dma_start3A_12] : memref<8192x256xf32, #tpu.memory_space<hbm>> -> memref<8192x256xf32, #tpu.memory_space<hbm>>
      tpu.enqueue_indirect_dma source(%dma_start3A_13 : memref<8192x256xf32, #tpu.memory_space<hbm>>) target(%arg10 : memref<128x256xf32, #tpu.memory_space<vmem>>) offsets(%arg9 : memref<128xi32, #tpu.memory_space<vmem>>) semaphore(%arg13 : memref<!tpu.dma_semaphore, #tpu.memory_space<semaphore_mem>>)
      %dma_start3A_14 = arith.constant 0 : i32
      %dma_start3A_15 = arith.constant 0 : i32
      %dma_start3A_16 = tpu.memref_slice %arg4[%dma_start3A_14, %dma_start3A_15] : memref<8192x256xf32, #tpu.memory_space<hbm>> -> memref<8192x256xf32, #tpu.memory_space<hbm>>
      tpu.enqueue_indirect_dma source(%dma_start3A_16 : memref<8192x256xf32, #tpu.memory_space<hbm>>) target(%arg11 : memref<128x256xf32, #tpu.memory_space<vmem>>) offsets(%arg9 : memref<128xi32, #tpu.memory_space<vmem>>) semaphore(%arg14 : memref<!tpu.dma_semaphore, #tpu.memory_space<semaphore_mem>>)
      %dma_start3A_17 = arith.constant 0 : i32
      %dma_start3A_18 = arith.constant 0 : i32
      %dma_start3A_19 = tpu.memref_slice %arg5[%dma_start3A_17, %dma_start3A_18] : memref<8192x16xf32, #tpu.memory_space<hbm>> -> memref<8192x16xf32, #tpu.memory_space<hbm>>
      tpu.enqueue_indirect_dma source(%dma_start3A_19 : memref<8192x16xf32, #tpu.memory_space<hbm>>) target(%arg12 : memref<128x16xf32, #tpu.memory_space<vmem>>) offsets(%arg9 : memref<128xi32, #tpu.memory_space<vmem>>) semaphore(%arg15 : memref<!tpu.dma_semaphore, #tpu.memory_space<semaphore_mem>>)
      %dma_wait3A = arith.constant 0 : i32
      %dma_wait3A_20 = arith.constant 0 : i32
      %dma_wait3A_21 = tpu.memref_slice %arg3[%dma_wait3A, %dma_wait3A_20] : memref<8192x256xf32, #tpu.memory_space<hbm>> -> memref<8192x256xf32, #tpu.memory_space<hbm>>
      tpu.wait_indirect_dma semaphore(%arg13 : memref<!tpu.dma_semaphore, #tpu.memory_space<semaphore_mem>>) src(%dma_wait3A_21 : memref<8192x256xf32, #tpu.memory_space<hbm>>) dst(%arg10 : memref<128x256xf32, #tpu.memory_space<vmem>>)
      %dma_wait3A_22 = arith.constant 0 : i32
      %dma_wait3A_23 = arith.constant 0 : i32
      %dma_wait3A_24 = tpu.memref_slice %arg4[%dma_wait3A_22, %dma_wait3A_23] : memref<8192x256xf32, #tpu.memory_space<hbm>> -> memref<8192x256xf32, #tpu.memory_space<hbm>>
      tpu.wait_indirect_dma semaphore(%arg14 : memref<!tpu.dma_semaphore, #tpu.memory_space<semaphore_mem>>) src(%dma_wait3A_24 : memref<8192x256xf32, #tpu.memory_space<hbm>>) dst(%arg11 : memref<128x256xf32, #tpu.memory_space<vmem>>)
      %dma_wait3A_25 = arith.constant 0 : i32
      %dma_wait3A_26 = arith.constant 0 : i32
      %dma_wait3A_27 = tpu.memref_slice %arg5[%dma_wait3A_25, %dma_wait3A_26] : memref<8192x16xf32, #tpu.memory_space<hbm>> -> memref<8192x16xf32, #tpu.memory_space<hbm>>
      tpu.wait_indirect_dma semaphore(%arg15 : memref<!tpu.dma_semaphore, #tpu.memory_space<semaphore_mem>>) src(%dma_wait3A_27 : memref<8192x16xf32, #tpu.memory_space<hbm>>) dst(%arg12 : memref<128x16xf32, #tpu.memory_space<vmem>>)
      "tpu.region"() ({
        %run_scoped3A = tpu.sem_alloc : memref<!tpu.dma_semaphore, #tpu.memory_space<semaphore_mem>>
        %dma_start3A_28 = arith.constant 0 : i32
        %dma_start3A_29 = tpu.memref_slice %arg6[%add3A_11, %dma_start3A_28] : memref<65536x256xf32, #tpu.memory_space<hbm>> -> memref<128x256xf32, #tpu.memory_space<hbm>>
        %dma_start3A_30 = arith.constant 0 : i32
        %dma_start3A_31 = tpu.memref_slice %arg6[%add3A_11, %dma_start3A_30] : memref<65536x256xf32, #tpu.memory_space<hbm>> -> memref<128x256xf32, #tpu.memory_space<hbm>>
        tpu.enqueue_dma source(%arg10 : memref<128x256xf32, #tpu.memory_space<vmem>>) target(%dma_start3A_31 : memref<128x256xf32, #tpu.memory_space<hbm>>) target_semaphore(%run_scoped3A : memref<!tpu.dma_semaphore, #tpu.memory_space<semaphore_mem>>)
        %dma_wait3A_32 = arith.constant 0 : i32
        %dma_wait3A_33 = tpu.memref_slice %arg6[%add3A_11, %dma_wait3A_32] : memref<65536x256xf32, #tpu.memory_space<hbm>> -> memref<128x256xf32, #tpu.memory_space<hbm>>
        %dma_wait3A_34 = arith.constant 0 : i32
        %dma_wait3A_35 = tpu.memref_slice %arg6[%add3A_11, %dma_wait3A_34] : memref<65536x256xf32, #tpu.memory_space<hbm>> -> memref<128x256xf32, #tpu.memory_space<hbm>>
        tpu.wait_dma2 semaphore(%run_scoped3A : memref<!tpu.dma_semaphore, #tpu.memory_space<semaphore_mem>>) src(%arg10 : memref<128x256xf32, #tpu.memory_space<vmem>>) dst(%dma_wait3A_35 : memref<128x256xf32, #tpu.memory_space<hbm>>)
        tpu.yield
      }) : () -> ()
      "tpu.region"() ({
        %run_scoped3A = tpu.sem_alloc : memref<!tpu.dma_semaphore, #tpu.memory_space<semaphore_mem>>
        %dma_start3A_28 = arith.constant 0 : i32
        %dma_start3A_29 = tpu.memref_slice %arg7[%add3A_11, %dma_start3A_28] : memref<65536x256xf32, #tpu.memory_space<hbm>> -> memref<128x256xf32, #tpu.memory_space<hbm>>
        %dma_start3A_30 = arith.constant 0 : i32
        %dma_start3A_31 = tpu.memref_slice %arg7[%add3A_11, %dma_start3A_30] : memref<65536x256xf32, #tpu.memory_space<hbm>> -> memref<128x256xf32, #tpu.memory_space<hbm>>
        tpu.enqueue_dma source(%arg11 : memref<128x256xf32, #tpu.memory_space<vmem>>) target(%dma_start3A_31 : memref<128x256xf32, #tpu.memory_space<hbm>>) target_semaphore(%run_scoped3A : memref<!tpu.dma_semaphore, #tpu.memory_space<semaphore_mem>>)
        %dma_wait3A_32 = arith.constant 0 : i32
        %dma_wait3A_33 = tpu.memref_slice %arg7[%add3A_11, %dma_wait3A_32] : memref<65536x256xf32, #tpu.memory_space<hbm>> -> memref<128x256xf32, #tpu.memory_space<hbm>>
        %dma_wait3A_34 = arith.constant 0 : i32
        %dma_wait3A_35 = tpu.memref_slice %arg7[%add3A_11, %dma_wait3A_34] : memref<65536x256xf32, #tpu.memory_space<hbm>> -> memref<128x256xf32, #tpu.memory_space<hbm>>
        tpu.wait_dma2 semaphore(%run_scoped3A : memref<!tpu.dma_semaphore, #tpu.memory_space<semaphore_mem>>) src(%arg11 : memref<128x256xf32, #tpu.memory_space<vmem>>) dst(%dma_wait3A_35 : memref<128x256xf32, #tpu.memory_space<hbm>>)
        tpu.yield
      }) : () -> ()
      "tpu.region"() ({
        %run_scoped3A = tpu.sem_alloc : memref<!tpu.dma_semaphore, #tpu.memory_space<semaphore_mem>>
        %dma_start3A_28 = arith.constant 0 : i32
        %dma_start3A_29 = tpu.memref_slice %arg8[%add3A_11, %dma_start3A_28] : memref<65536x16xf32, #tpu.memory_space<hbm>> -> memref<128x16xf32, #tpu.memory_space<hbm>>
        %dma_start3A_30 = arith.constant 0 : i32
        %dma_start3A_31 = tpu.memref_slice %arg8[%add3A_11, %dma_start3A_30] : memref<65536x16xf32, #tpu.memory_space<hbm>> -> memref<128x16xf32, #tpu.memory_space<hbm>>
        tpu.enqueue_dma source(%arg12 : memref<128x16xf32, #tpu.memory_space<vmem>>) target(%dma_start3A_31 : memref<128x16xf32, #tpu.memory_space<hbm>>) target_semaphore(%run_scoped3A : memref<!tpu.dma_semaphore, #tpu.memory_space<semaphore_mem>>)
        %dma_wait3A_32 = arith.constant 0 : i32
        %dma_wait3A_33 = tpu.memref_slice %arg8[%add3A_11, %dma_wait3A_32] : memref<65536x16xf32, #tpu.memory_space<hbm>> -> memref<128x16xf32, #tpu.memory_space<hbm>>
        %dma_wait3A_34 = arith.constant 0 : i32
        %dma_wait3A_35 = tpu.memref_slice %arg8[%add3A_11, %dma_wait3A_34] : memref<65536x16xf32, #tpu.memory_space<hbm>> -> memref<128x16xf32, #tpu.memory_space<hbm>>
        tpu.wait_dma2 semaphore(%run_scoped3A : memref<!tpu.dma_semaphore, #tpu.memory_space<semaphore_mem>>) src(%arg12 : memref<128x16xf32, #tpu.memory_space<vmem>>) dst(%dma_wait3A_35 : memref<128x16xf32, #tpu.memory_space<hbm>>)
        tpu.yield
      }) : () -> ()
    }
    %scan3A_7 = arith.constant 16 : i32
    return
  }
}

#map = affine_map<(d0, d1) -> (0)>
#map1 = affine_map<(d0, d1) -> (0, 0)>
module attributes {stable_mosaic.version = 14 : i64} {
  func.func @gather_kernel(%arg0: i32, %arg1: i32, %arg2: memref<65536xi32, #tpu.memory_space<hbm>>, %arg3: memref<8192x256xf32, #tpu.memory_space<hbm>>, %arg4: memref<8192x256xf32, #tpu.memory_space<hbm>>, %arg5: memref<8192x16xf32, #tpu.memory_space<hbm>>, %arg6: memref<65536x256xf32, #tpu.memory_space<hbm>>, %arg7: memref<65536x256xf32, #tpu.memory_space<hbm>>, %arg8: memref<65536x16xf32, #tpu.memory_space<hbm>>, %arg9: memref<128xi32, #tpu.memory_space<vmem>>, %arg10: memref<128x256xf32, #tpu.memory_space<vmem>>, %arg11: memref<128x256xf32, #tpu.memory_space<vmem>>, %arg12: memref<128x16xf32, #tpu.memory_space<vmem>>, %arg13: memref<!tpu.dma_semaphore, #tpu.memory_space<semaphore_mem>>, %arg14: memref<!tpu.dma_semaphore, #tpu.memory_space<semaphore_mem>>, %arg15: memref<!tpu.dma_semaphore, #tpu.memory_space<semaphore_mem>>) attributes {dimension_semantics = [#tpu.dimension_semantics<core_parallel>, #tpu.dimension_semantics<subcore_parallel>], iteration_bounds = array<i64: 2, 16>, scalar_prefetch = 0 : i64, scratch_operands = 7 : i64, tpu.core_type = #tpu.core_type<sc_vector_subcore>, window_params = [{transform_indices = #map}, {transform_indices = #map1}, {transform_indices = #map1}, {transform_indices = #map1}, {transform_indices = #map1}, {transform_indices = #map1}, {transform_indices = #map1}]} {
    %mul3A = arith.constant 2 : i32
    %mul3A_0 = arith.muli %arg1, %mul3A : i32
    %add3A = arith.addi %mul3A_0, %arg0 : i32
    %mul3A_1 = arith.constant 2048 : i32
    %mul3A_2 = arith.muli %add3A, %mul3A_1 : i32
    %scan3A = arith.constant 0 : i32
    %scan3A_3 = arith.constant 0 : i32
    %scan3A_4 = arith.constant 16 : i32
    %scan3A_5 = arith.addi %scan3A_3, %scan3A_4 : i32
    %scan3A_6 = arith.constant 1 : i32
    scf.for %scan3A_8 = %scan3A_3 to %scan3A_5 step %scan3A_6  : i32 {
      %mul3A_9 = arith.constant 128 : i32
      %mul3A_10 = arith.muli %scan3A_8, %mul3A_9 : i32
      %add3A_11 = arith.addi %mul3A_2, %mul3A_10 : i32
      "tpu.region"() ({
        %run_scoped3A = tpu.sem_alloc : memref<!tpu.dma_semaphore, #tpu.memory_space<semaphore_mem>>
        %dma_start3A_28 = tpu.memref_slice %arg2[%add3A_11] : memref<65536xi32, #tpu.memory_space<hbm>> -> memref<128xi32, #tpu.memory_space<hbm>>
        %dma_start3A_29 = tpu.memref_slice %arg2[%add3A_11] : memref<65536xi32, #tpu.memory_space<hbm>> -> memref<128xi32, #tpu.memory_space<hbm>>
        tpu.enqueue_dma source(%dma_start3A_29 : memref<128xi32, #tpu.memory_space<hbm>>) target(%arg9 : memref<128xi32, #tpu.memory_space<vmem>>) target_semaphore(%run_scoped3A : memref<!tpu.dma_semaphore, #tpu.memory_space<semaphore_mem>>)
        %dma_wait3A_30 = tpu.memref_slice %arg2[%add3A_11] : memref<65536xi32, #tpu.memory_space<hbm>> -> memref<128xi32, #tpu.memory_space<hbm>>
        %dma_wait3A_31 = tpu.memref_slice %arg2[%add3A_11] : memref<65536xi32, #tpu.memory_space<hbm>> -> memref<128xi32, #tpu.memory_space<hbm>>
        tpu.wait_dma2 semaphore(%run_scoped3A : memref<!tpu.dma_semaphore, #tpu.memory_space<semaphore_mem>>) src(%dma_wait3A_31 : memref<128xi32, #tpu.memory_space<hbm>>) dst(%arg9 : memref<128xi32, #tpu.memory_space<vmem>>)
        tpu.yield
      }) : () -> ()
      %dma_start3A = arith.constant 0 : i32
      %dma_start3A_12 = arith.constant 0 : i32
      %dma_start3A_13 = tpu.memref_slice %arg3[%dma_start3A, %dma_start3A_12] : memref<8192x256xf32, #tpu.memory_space<hbm>> -> memref<8192x256xf32, #tpu.memory_space<hbm>>
      tpu.enqueue_indirect_dma source(%dma_start3A_13 : memref<8192x256xf32, #tpu.memory_space<hbm>>) target(%arg10 : memref<128x256xf32, #tpu.memory_space<vmem>>) offsets(%arg9 : memref<128xi32, #tpu.memory_space<vmem>>) semaphore(%arg13 : memref<!tpu.dma_semaphore, #tpu.memory_space<semaphore_mem>>)
      %dma_start3A_14 = arith.constant 0 : i32
      %dma_start3A_15 = arith.constant 0 : i32
      %dma_start3A_16 = tpu.memref_slice %arg4[%dma_start3A_14, %dma_start3A_15] : memref<8192x256xf32, #tpu.memory_space<hbm>> -> memref<8192x256xf32, #tpu.memory_space<hbm>>
      tpu.enqueue_indirect_dma source(%dma_start3A_16 : memref<8192x256xf32, #tpu.memory_space<hbm>>) target(%arg11 : memref<128x256xf32, #tpu.memory_space<vmem>>) offsets(%arg9 : memref<128xi32, #tpu.memory_space<vmem>>) semaphore(%arg14 : memref<!tpu.dma_semaphore, #tpu.memory_space<semaphore_mem>>)
      %dma_start3A_17 = arith.constant 0 : i32
      %dma_start3A_18 = arith.constant 0 : i32
      %dma_start3A_19 = tpu.memref_slice %arg5[%dma_start3A_17, %dma_start3A_18] : memref<8192x16xf32, #tpu.memory_space<hbm>> -> memref<8192x16xf32, #tpu.memory_space<hbm>>
      tpu.enqueue_indirect_dma source(%dma_start3A_19 : memref<8192x16xf32, #tpu.memory_space<hbm>>) target(%arg12 : memref<128x16xf32, #tpu.memory_space<vmem>>) offsets(%arg9 : memref<128xi32, #tpu.memory_space<vmem>>) semaphore(%arg15 : memref<!tpu.dma_semaphore, #tpu.memory_space<semaphore_mem>>)
      %dma_wait3A = arith.constant 0 : i32
      %dma_wait3A_20 = arith.constant 0 : i32
      %dma_wait3A_21 = tpu.memref_slice %arg3[%dma_wait3A, %dma_wait3A_20] : memref<8192x256xf32, #tpu.memory_space<hbm>> -> memref<8192x256xf32, #tpu.memory_space<hbm>>
      tpu.wait_indirect_dma semaphore(%arg13 : memref<!tpu.dma_semaphore, #tpu.memory_space<semaphore_mem>>) src(%dma_wait3A_21 : memref<8192x256xf32, #tpu.memory_space<hbm>>) dst(%arg10 : memref<128x256xf32, #tpu.memory_space<vmem>>)
      %dma_wait3A_22 = arith.constant 0 : i32
      %dma_wait3A_23 = arith.constant 0 : i32
      %dma_wait3A_24 = tpu.memref_slice %arg4[%dma_wait3A_22, %dma_wait3A_23] : memref<8192x256xf32, #tpu.memory_space<hbm>> -> memref<8192x256xf32, #tpu.memory_space<hbm>>
      tpu.wait_indirect_dma semaphore(%arg14 : memref<!tpu.dma_semaphore, #tpu.memory_space<semaphore_mem>>) src(%dma_wait3A_24 : memref<8192x256xf32, #tpu.memory_space<hbm>>) dst(%arg11 : memref<128x256xf32, #tpu.memory_space<vmem>>)
      %dma_wait3A_25 = arith.constant 0 : i32
      %dma_wait3A_26 = arith.constant 0 : i32
      %dma_wait3A_27 = tpu.memref_slice %arg5[%dma_wait3A_25, %dma_wait3A_26] : memref<8192x16xf32, #tpu.memory_space<hbm>> -> memref<8192x16xf32, #tpu.memory_space<hbm>>
      tpu.wait_indirect_dma semaphore(%arg15 : memref<!tpu.dma_semaphore, #tpu.memory_space<semaphore_mem>>) src(%dma_wait3A_27 : memref<8192x16xf32, #tpu.memory_space<hbm>>) dst(%arg12 : memref<128x16xf32, #tpu.memory_space<vmem>>)
      "tpu.region"() ({
        %run_scoped3A = tpu.sem_alloc : memref<!tpu.dma_semaphore, #tpu.memory_space<semaphore_mem>>
        %dma_start3A_28 = arith.constant 0 : i32
        %dma_start3A_29 = tpu.memref_slice %arg6[%add3A_11, %dma_start3A_28] : memref<65536x256xf32, #tpu.memory_space<hbm>> -> memref<128x256xf32, #tpu.memory_space<hbm>>
        %dma_start3A_30 = arith.constant 0 : i32
        %dma_start3A_31 = tpu.memref_slice %arg6[%add3A_11, %dma_start3A_30] : memref<65536x256xf32, #tpu.memory_space<hbm>> -> memref<128x256xf32, #tpu.memory_space<hbm>>
        tpu.enqueue_dma source(%arg10 : memref<128x256xf32, #tpu.memory_space<vmem>>) target(%dma_start3A_31 : memref<128x256xf32, #tpu.memory_space<hbm>>) target_semaphore(%run_scoped3A : memref<!tpu.dma_semaphore, #tpu.memory_space<semaphore_mem>>)
        %dma_wait3A_32 = arith.constant 0 : i32
        %dma_wait3A_33 = tpu.memref_slice %arg6[%add3A_11, %dma_wait3A_32] : memref<65536x256xf32, #tpu.memory_space<hbm>> -> memref<128x256xf32, #tpu.memory_space<hbm>>
        %dma_wait3A_34 = arith.constant 0 : i32
        %dma_wait3A_35 = tpu.memref_slice %arg6[%add3A_11, %dma_wait3A_34] : memref<65536x256xf32, #tpu.memory_space<hbm>> -> memref<128x256xf32, #tpu.memory_space<hbm>>
        tpu.wait_dma2 semaphore(%run_scoped3A : memref<!tpu.dma_semaphore, #tpu.memory_space<semaphore_mem>>) src(%arg10 : memref<128x256xf32, #tpu.memory_space<vmem>>) dst(%dma_wait3A_35 : memref<128x256xf32, #tpu.memory_space<hbm>>)
        tpu.yield
      }) : () -> ()
      "tpu.region"() ({
        %run_scoped3A = tpu.sem_alloc : memref<!tpu.dma_semaphore, #tpu.memory_space<semaphore_mem>>
        %dma_start3A_28 = arith.constant 0 : i32
        %dma_start3A_29 = tpu.memref_slice %arg7[%add3A_11, %dma_start3A_28] : memref<65536x256xf32, #tpu.memory_space<hbm>> -> memref<128x256xf32, #tpu.memory_space<hbm>>
        %dma_start3A_30 = arith.constant 0 : i32
        %dma_start3A_31 = tpu.memref_slice %arg7[%add3A_11, %dma_start3A_30] : memref<65536x256xf32, #tpu.memory_space<hbm>> -> memref<128x256xf32, #tpu.memory_space<hbm>>
        tpu.enqueue_dma source(%arg11 : memref<128x256xf32, #tpu.memory_space<vmem>>) target(%dma_start3A_31 : memref<128x256xf32, #tpu.memory_space<hbm>>) target_semaphore(%run_scoped3A : memref<!tpu.dma_semaphore, #tpu.memory_space<semaphore_mem>>)
        %dma_wait3A_32 = arith.constant 0 : i32
        %dma_wait3A_33 = tpu.memref_slice %arg7[%add3A_11, %dma_wait3A_32] : memref<65536x256xf32, #tpu.memory_space<hbm>> -> memref<128x256xf32, #tpu.memory_space<hbm>>
        %dma_wait3A_34 = arith.constant 0 : i32
        %dma_wait3A_35 = tpu.memref_slice %arg7[%add3A_11, %dma_wait3A_34] : memref<65536x256xf32, #tpu.memory_space<hbm>> -> memref<128x256xf32, #tpu.memory_space<hbm>>
        tpu.wait_dma2 semaphore(%run_scoped3A : memref<!tpu.dma_semaphore, #tpu.memory_space<semaphore_mem>>) src(%arg11 : memref<128x256xf32, #tpu.memory_space<vmem>>) dst(%dma_wait3A_35 : memref<128x256xf32, #tpu.memory_space<hbm>>)
        tpu.yield
      }) : () -> ()
      "tpu.region"() ({
        %run_scoped3A = tpu.sem_alloc : memref<!tpu.dma_semaphore, #tpu.memory_space<semaphore_mem>>
        %dma_start3A_28 = arith.constant 0 : i32
        %dma_start3A_29 = tpu.memref_slice %arg8[%add3A_11, %dma_start3A_28] : memref<65536x16xf32, #tpu.memory_space<hbm>> -> memref<128x16xf32, #tpu.memory_space<hbm>>
        %dma_start3A_30 = arith.constant 0 : i32
        %dma_start3A_31 = tpu.memref_slice %arg8[%add3A_11, %dma_start3A_30] : memref<65536x16xf32, #tpu.memory_space<hbm>> -> memref<128x16xf32, #tpu.memory_space<hbm>>
        tpu.enqueue_dma source(%arg12 : memref<128x16xf32, #tpu.memory_space<vmem>>) target(%dma_start3A_31 : memref<128x16xf32, #tpu.memory_space<hbm>>) target_semaphore(%run_scoped3A : memref<!tpu.dma_semaphore, #tpu.memory_space<semaphore_mem>>)
        %dma_wait3A_32 = arith.constant 0 : i32
        %dma_wait3A_33 = tpu.memref_slice %arg8[%add3A_11, %dma_wait3A_32] : memref<65536x16xf32, #tpu.memory_space<hbm>> -> memref<128x16xf32, #tpu.memory_space<hbm>>
        %dma_wait3A_34 = arith.constant 0 : i32
        %dma_wait3A_35 = tpu.memref_slice %arg8[%add3A_11, %dma_wait3A_34] : memref<65536x16xf32, #tpu.memory_space<hbm>> -> memref<128x16xf32, #tpu.memory_space<hbm>>
        tpu.wait_dma2 semaphore(%run_scoped3A : memref<!tpu.dma_semaphore, #tpu.memory_space<semaphore_mem>>) src(%arg12 : memref<128x16xf32, #tpu.memory_space<vmem>>) dst(%dma_wait3A_35 : memref<128x16xf32, #tpu.memory_space<hbm>>)
        tpu.yield
      }) : () -> ()
    }
    %scan3A_7 = arith.constant 16 : i32
    return
  }
}

module attributes {stable_mosaic.version = 14 : i64} {
  func.func @_topk_body(%arg0: i32, %arg1: memref<256x8xf32, #tpu.memory_space<vmem>>, %arg2: memref<8x8192xf32, #tpu.memory_space<vmem>>, %arg3: memref<256x16xi32, #tpu.memory_space<vmem>>) attributes {dimension_semantics = [#tpu.dimension_semantics<arbitrary>], iteration_bounds = array<i64: 16>, scalar_prefetch = 0 : i64, scratch_operands = 0 : i64, tpu.core_type = #tpu.core_type<tc>, window_params = [{transform_indices = @transform_0, window_bounds = array<i64: 256, 8>}, {pipeline_mode = #tpu.pipeline_mode<synchronous>, transform_indices = @transform_1, window_bounds = array<i64: 8, 8192>}, {transform_indices = @transform_2, window_bounds = array<i64: 256, 16>}]} {
    %get3A = arith.constant 0 : index
    %get3A_0 = arith.constant 0 : index
    %get3A_1 = vector.load %arg1[%get3A, %get3A_0] : memref<256x8xf32, #tpu.memory_space<vmem>>, vector<256x8xf32>
    %slice3A = vector.extract_strided_slice %get3A_1 {offsets = [0, 0], sizes = [256, 1], strides = [1, 1]} : vector<256x8xf32> to vector<256x1xf32>
    %slice3A_2 = vector.extract_strided_slice %get3A_1 {offsets = [0, 1], sizes = [256, 1], strides = [1, 1]} : vector<256x8xf32> to vector<256x1xf32>
    %slice3A_3 = vector.extract_strided_slice %get3A_1 {offsets = [0, 2], sizes = [256, 1], strides = [1, 1]} : vector<256x8xf32> to vector<256x1xf32>
    %get3A_4 = arith.constant 0 : index
    %get3A_5 = arith.constant 0 : index
    %get3A_6 = vector.load %arg2[%get3A_4, %get3A_5] : memref<8x8192xf32, #tpu.memory_space<vmem>>, vector<1x8192xf32>
    %get3A_7 = arith.constant 1 : index
    %get3A_8 = arith.constant 0 : index
    %get3A_9 = vector.load %arg2[%get3A_7, %get3A_8] : memref<8x8192xf32, #tpu.memory_space<vmem>>, vector<1x8192xf32>
    %get3A_10 = arith.constant 2 : index
    %get3A_11 = arith.constant 0 : index
    %get3A_12 = vector.load %arg2[%get3A_10, %get3A_11] : memref<8x8192xf32, #tpu.memory_space<vmem>>, vector<1x8192xf32>
    %convert_element_type3A = arith.truncf %get3A_1 : vector<256x8xf32> to vector<256x8xbf16>
    %get3A_13 = arith.constant 0 : index
    %get3A_14 = arith.constant 0 : index
    %get3A_15 = vector.load %arg2[%get3A_13, %get3A_14] : memref<8x8192xf32, #tpu.memory_space<vmem>>, vector<8x8192xf32>
    %convert_element_type3A_16 = arith.truncf %get3A_15 : vector<8x8192xf32> to vector<8x8192xbf16>
    %dot_general3A = arith.constant dense<0.000000e+00> : vector<256x8192xf32>
    %dot_general3A_17 = tpu.matmul %convert_element_type3A, %convert_element_type3A_16, %dot_general3A {dimension_numbers = #tpu.dot_dimension_numbers<[1], [0], [0], [1], [0, 0, 1, 1], [], []>, transpose_lhs_hint = false} : vector<256x8xbf16>, vector<8x8192xbf16>, vector<256x8192xf32> -> vector<256x8192xf32>
    %mul3A = arith.mulf %slice3A, %slice3A : vector<256x1xf32>
    %mul3A_18 = arith.mulf %slice3A_2, %slice3A_2 : vector<256x1xf32>
    %add3A = arith.addf %mul3A, %mul3A_18 : vector<256x1xf32>
    %mul3A_19 = arith.mulf %slice3A_3, %slice3A_3 : vector<256x1xf32>
    %add3A_20 = arith.addf %add3A, %mul3A_19 : vector<256x1xf32>
    %mul3A_21 = arith.mulf %get3A_6, %get3A_6 : vector<1x8192xf32>
    %mul3A_22 = arith.mulf %get3A_9, %get3A_9 : vector<1x8192xf32>
    %add3A_23 = arith.addf %mul3A_21, %mul3A_22 : vector<1x8192xf32>
    %mul3A_24 = arith.mulf %get3A_12, %get3A_12 : vector<1x8192xf32>
    %add3A_25 = arith.addf %add3A_23, %mul3A_24 : vector<1x8192xf32>
    %add3A_26 = vector.broadcast %add3A_20 : vector<256x1xf32> to vector<256x8192xf32>
    %add3A_27 = vector.broadcast %add3A_25 : vector<1x8192xf32> to vector<256x8192xf32>
    %add3A_28 = arith.addf %add3A_26, %add3A_27 : vector<256x8192xf32>
    %mul3A_29 = arith.constant 2.000000e+00 : f32
    %mul3A_30 = vector.broadcast %mul3A_29 : f32 to vector<256x8192xf32>
    %mul3A_31 = arith.mulf %mul3A_30, %dot_general3A_17 : vector<256x8192xf32>
    %sub3A = arith.subf %add3A_28, %mul3A_31 : vector<256x8192xf32>
    %iota3A = tpu.iota {dimensions = array<i32: 1>} : vector<256x8192xi32>
    %argmin3A = tpu.reduce_index %sub3A {axis = 1 : i32, kind = #tpu.reduction_kind<arg_min>} : vector<256x8192xf32> -> vector<256xi32>
    %reshape3A = vector.shape_cast %argmin3A : vector<256xi32> to vector<256x1xi32>
    %eq3A = vector.broadcast %reshape3A : vector<256x1xi32> to vector<256x8192xi32>
    %eq3A_32 = arith.cmpi eq, %iota3A, %eq3A : vector<256x8192xi32>
    %jit3A = arith.constant 0x7F800000 : f32
    %broadcast_in_dim3A = vector.broadcast %jit3A : f32 to vector<256x8192xf32>
    %select_n3A = arith.select %eq3A_32, %broadcast_in_dim3A, %sub3A : vector<256x8192xi1>, vector<256x8192xf32>
    %argmin3A_33 = tpu.reduce_index %select_n3A {axis = 1 : i32, kind = #tpu.reduction_kind<arg_min>} : vector<256x8192xf32> -> vector<256xi32>
    %reshape3A_34 = vector.shape_cast %argmin3A_33 : vector<256xi32> to vector<256x1xi32>
    %eq3A_35 = vector.broadcast %reshape3A_34 : vector<256x1xi32> to vector<256x8192xi32>
    %eq3A_36 = arith.cmpi eq, %iota3A, %eq3A_35 : vector<256x8192xi32>
    %jit3A_37 = arith.constant 0x7F800000 : f32
    %broadcast_in_dim3A_38 = vector.broadcast %jit3A_37 : f32 to vector<256x8192xf32>
    %select_n3A_39 = arith.select %eq3A_36, %broadcast_in_dim3A_38, %select_n3A : vector<256x8192xi1>, vector<256x8192xf32>
    %argmin3A_40 = tpu.reduce_index %select_n3A_39 {axis = 1 : i32, kind = #tpu.reduction_kind<arg_min>} : vector<256x8192xf32> -> vector<256xi32>
    %reshape3A_41 = vector.shape_cast %argmin3A_40 : vector<256xi32> to vector<256x1xi32>
    %eq3A_42 = vector.broadcast %reshape3A_41 : vector<256x1xi32> to vector<256x8192xi32>
    %eq3A_43 = arith.cmpi eq, %iota3A, %eq3A_42 : vector<256x8192xi32>
    %jit3A_44 = arith.constant 0x7F800000 : f32
    %broadcast_in_dim3A_45 = vector.broadcast %jit3A_44 : f32 to vector<256x8192xf32>
    %select_n3A_46 = arith.select %eq3A_43, %broadcast_in_dim3A_45, %select_n3A_39 : vector<256x8192xi1>, vector<256x8192xf32>
    %argmin3A_47 = tpu.reduce_index %select_n3A_46 {axis = 1 : i32, kind = #tpu.reduction_kind<arg_min>} : vector<256x8192xf32> -> vector<256xi32>
    %reshape3A_48 = vector.shape_cast %argmin3A_47 : vector<256xi32> to vector<256x1xi32>
    %eq3A_49 = vector.broadcast %reshape3A_48 : vector<256x1xi32> to vector<256x8192xi32>
    %eq3A_50 = arith.cmpi eq, %iota3A, %eq3A_49 : vector<256x8192xi32>
    %jit3A_51 = arith.constant 0x7F800000 : f32
    %broadcast_in_dim3A_52 = vector.broadcast %jit3A_51 : f32 to vector<256x8192xf32>
    %select_n3A_53 = arith.select %eq3A_50, %broadcast_in_dim3A_52, %select_n3A_46 : vector<256x8192xi1>, vector<256x8192xf32>
    %argmin3A_54 = tpu.reduce_index %select_n3A_53 {axis = 1 : i32, kind = #tpu.reduction_kind<arg_min>} : vector<256x8192xf32> -> vector<256xi32>
    %reshape3A_55 = vector.shape_cast %argmin3A_54 : vector<256xi32> to vector<256x1xi32>
    %eq3A_56 = vector.broadcast %reshape3A_55 : vector<256x1xi32> to vector<256x8192xi32>
    %eq3A_57 = arith.cmpi eq, %iota3A, %eq3A_56 : vector<256x8192xi32>
    %jit3A_58 = arith.constant 0x7F800000 : f32
    %broadcast_in_dim3A_59 = vector.broadcast %jit3A_58 : f32 to vector<256x8192xf32>
    %select_n3A_60 = arith.select %eq3A_57, %broadcast_in_dim3A_59, %select_n3A_53 : vector<256x8192xi1>, vector<256x8192xf32>
    %argmin3A_61 = tpu.reduce_index %select_n3A_60 {axis = 1 : i32, kind = #tpu.reduction_kind<arg_min>} : vector<256x8192xf32> -> vector<256xi32>
    %reshape3A_62 = vector.shape_cast %argmin3A_61 : vector<256xi32> to vector<256x1xi32>
    %eq3A_63 = vector.broadcast %reshape3A_62 : vector<256x1xi32> to vector<256x8192xi32>
    %eq3A_64 = arith.cmpi eq, %iota3A, %eq3A_63 : vector<256x8192xi32>
    %jit3A_65 = arith.constant 0x7F800000 : f32
    %broadcast_in_dim3A_66 = vector.broadcast %jit3A_65 : f32 to vector<256x8192xf32>
    %select_n3A_67 = arith.select %eq3A_64, %broadcast_in_dim3A_66, %select_n3A_60 : vector<256x8192xi1>, vector<256x8192xf32>
    %argmin3A_68 = tpu.reduce_index %select_n3A_67 {axis = 1 : i32, kind = #tpu.reduction_kind<arg_min>} : vector<256x8192xf32> -> vector<256xi32>
    %reshape3A_69 = vector.shape_cast %argmin3A_68 : vector<256xi32> to vector<256x1xi32>
    %eq3A_70 = vector.broadcast %reshape3A_69 : vector<256x1xi32> to vector<256x8192xi32>
    %eq3A_71 = arith.cmpi eq, %iota3A, %eq3A_70 : vector<256x8192xi32>
    %jit3A_72 = arith.constant 0x7F800000 : f32
    %broadcast_in_dim3A_73 = vector.broadcast %jit3A_72 : f32 to vector<256x8192xf32>
    %select_n3A_74 = arith.select %eq3A_71, %broadcast_in_dim3A_73, %select_n3A_67 : vector<256x8192xi1>, vector<256x8192xf32>
    %argmin3A_75 = tpu.reduce_index %select_n3A_74 {axis = 1 : i32, kind = #tpu.reduction_kind<arg_min>} : vector<256x8192xf32> -> vector<256xi32>
    %reshape3A_76 = vector.shape_cast %argmin3A_75 : vector<256xi32> to vector<256x1xi32>
    %eq3A_77 = vector.broadcast %reshape3A_76 : vector<256x1xi32> to vector<256x8192xi32>
    %eq3A_78 = arith.cmpi eq, %iota3A, %eq3A_77 : vector<256x8192xi32>
    %jit3A_79 = arith.constant 0x7F800000 : f32
    %broadcast_in_dim3A_80 = vector.broadcast %jit3A_79 : f32 to vector<256x8192xf32>
    %select_n3A_81 = arith.select %eq3A_78, %broadcast_in_dim3A_80, %select_n3A_74 : vector<256x8192xi1>, vector<256x8192xf32>
    %argmin3A_82 = tpu.reduce_index %select_n3A_81 {axis = 1 : i32, kind = #tpu.reduction_kind<arg_min>} : vector<256x8192xf32> -> vector<256xi32>
    %reshape3A_83 = vector.shape_cast %argmin3A_82 : vector<256xi32> to vector<256x1xi32>
    %eq3A_84 = vector.broadcast %reshape3A_83 : vector<256x1xi32> to vector<256x8192xi32>
    %eq3A_85 = arith.cmpi eq, %iota3A, %eq3A_84 : vector<256x8192xi32>
    %jit3A_86 = arith.constant 0x7F800000 : f32
    %broadcast_in_dim3A_87 = vector.broadcast %jit3A_86 : f32 to vector<256x8192xf32>
    %select_n3A_88 = arith.select %eq3A_85, %broadcast_in_dim3A_87, %select_n3A_81 : vector<256x8192xi1>, vector<256x8192xf32>
    %argmin3A_89 = tpu.reduce_index %select_n3A_88 {axis = 1 : i32, kind = #tpu.reduction_kind<arg_min>} : vector<256x8192xf32> -> vector<256xi32>
    %reshape3A_90 = vector.shape_cast %argmin3A_89 : vector<256xi32> to vector<256x1xi32>
    %eq3A_91 = vector.broadcast %reshape3A_90 : vector<256x1xi32> to vector<256x8192xi32>
    %eq3A_92 = arith.cmpi eq, %iota3A, %eq3A_91 : vector<256x8192xi32>
    %jit3A_93 = arith.constant 0x7F800000 : f32
    %broadcast_in_dim3A_94 = vector.broadcast %jit3A_93 : f32 to vector<256x8192xf32>
    %select_n3A_95 = arith.select %eq3A_92, %broadcast_in_dim3A_94, %select_n3A_88 : vector<256x8192xi1>, vector<256x8192xf32>
    %argmin3A_96 = tpu.reduce_index %select_n3A_95 {axis = 1 : i32, kind = #tpu.reduction_kind<arg_min>} : vector<256x8192xf32> -> vector<256xi32>
    %reshape3A_97 = vector.shape_cast %argmin3A_96 : vector<256xi32> to vector<256x1xi32>
    %eq3A_98 = vector.broadcast %reshape3A_97 : vector<256x1xi32> to vector<256x8192xi32>
    %eq3A_99 = arith.cmpi eq, %iota3A, %eq3A_98 : vector<256x8192xi32>
    %jit3A_100 = arith.constant 0x7F800000 : f32
    %broadcast_in_dim3A_101 = vector.broadcast %jit3A_100 : f32 to vector<256x8192xf32>
    %select_n3A_102 = arith.select %eq3A_99, %broadcast_in_dim3A_101, %select_n3A_95 : vector<256x8192xi1>, vector<256x8192xf32>
    %argmin3A_103 = tpu.reduce_index %select_n3A_102 {axis = 1 : i32, kind = #tpu.reduction_kind<arg_min>} : vector<256x8192xf32> -> vector<256xi32>
    %reshape3A_104 = vector.shape_cast %argmin3A_103 : vector<256xi32> to vector<256x1xi32>
    %eq3A_105 = vector.broadcast %reshape3A_104 : vector<256x1xi32> to vector<256x8192xi32>
    %eq3A_106 = arith.cmpi eq, %iota3A, %eq3A_105 : vector<256x8192xi32>
    %jit3A_107 = arith.constant 0x7F800000 : f32
    %broadcast_in_dim3A_108 = vector.broadcast %jit3A_107 : f32 to vector<256x8192xf32>
    %select_n3A_109 = arith.select %eq3A_106, %broadcast_in_dim3A_108, %select_n3A_102 : vector<256x8192xi1>, vector<256x8192xf32>
    %argmin3A_110 = tpu.reduce_index %select_n3A_109 {axis = 1 : i32, kind = #tpu.reduction_kind<arg_min>} : vector<256x8192xf32> -> vector<256xi32>
    %reshape3A_111 = vector.shape_cast %argmin3A_110 : vector<256xi32> to vector<256x1xi32>
    %eq3A_112 = vector.broadcast %reshape3A_111 : vector<256x1xi32> to vector<256x8192xi32>
    %eq3A_113 = arith.cmpi eq, %iota3A, %eq3A_112 : vector<256x8192xi32>
    %jit3A_114 = arith.constant 0x7F800000 : f32
    %broadcast_in_dim3A_115 = vector.broadcast %jit3A_114 : f32 to vector<256x8192xf32>
    %select_n3A_116 = arith.select %eq3A_113, %broadcast_in_dim3A_115, %select_n3A_109 : vector<256x8192xi1>, vector<256x8192xf32>
    %argmin3A_117 = tpu.reduce_index %select_n3A_116 {axis = 1 : i32, kind = #tpu.reduction_kind<arg_min>} : vector<256x8192xf32> -> vector<256xi32>
    %reshape3A_118 = vector.shape_cast %argmin3A_117 : vector<256xi32> to vector<256x1xi32>
    %eq3A_119 = vector.broadcast %reshape3A_118 : vector<256x1xi32> to vector<256x8192xi32>
    %eq3A_120 = arith.cmpi eq, %iota3A, %eq3A_119 : vector<256x8192xi32>
    %jit3A_121 = arith.constant 0x7F800000 : f32
    %broadcast_in_dim3A_122 = vector.broadcast %jit3A_121 : f32 to vector<256x8192xf32>
    %select_n3A_123 = arith.select %eq3A_120, %broadcast_in_dim3A_122, %select_n3A_116 : vector<256x8192xi1>, vector<256x8192xf32>
    %argmin3A_124 = tpu.reduce_index %select_n3A_123 {axis = 1 : i32, kind = #tpu.reduction_kind<arg_min>} : vector<256x8192xf32> -> vector<256xi32>
    %reshape3A_125 = vector.shape_cast %argmin3A_124 : vector<256xi32> to vector<256x1xi32>
    %eq3A_126 = vector.broadcast %reshape3A_125 : vector<256x1xi32> to vector<256x8192xi32>
    %eq3A_127 = arith.cmpi eq, %iota3A, %eq3A_126 : vector<256x8192xi32>
    %jit3A_128 = arith.constant 0x7F800000 : f32
    %broadcast_in_dim3A_129 = vector.broadcast %jit3A_128 : f32 to vector<256x8192xf32>
    %select_n3A_130 = arith.select %eq3A_127, %broadcast_in_dim3A_129, %select_n3A_123 : vector<256x8192xi1>, vector<256x8192xf32>
    %argmin3A_131 = tpu.reduce_index %select_n3A_130 {axis = 1 : i32, kind = #tpu.reduction_kind<arg_min>} : vector<256x8192xf32> -> vector<256xi32>
    %reshape3A_132 = vector.shape_cast %argmin3A_131 : vector<256xi32> to vector<256x1xi32>
    %concatenate3A = tpu.concatenate %reshape3A, %reshape3A_34, %reshape3A_41, %reshape3A_48, %reshape3A_55, %reshape3A_62, %reshape3A_69, %reshape3A_76, %reshape3A_83, %reshape3A_90, %reshape3A_97, %reshape3A_104, %reshape3A_111, %reshape3A_118, %reshape3A_125, %reshape3A_132 in 1 : vector<256x1xi32>, vector<256x1xi32>, vector<256x1xi32>, vector<256x1xi32>, vector<256x1xi32>, vector<256x1xi32>, vector<256x1xi32>, vector<256x1xi32>, vector<256x1xi32>, vector<256x1xi32>, vector<256x1xi32>, vector<256x1xi32>, vector<256x1xi32>, vector<256x1xi32>, vector<256x1xi32>, vector<256x1xi32> -> vector<256x16xi32>
    %swap3A = arith.constant 0 : index
    %swap3A_133 = arith.constant 0 : index
    %swap3A_134 = vector.load %arg3[%swap3A, %swap3A_133] : memref<256x16xi32, #tpu.memory_space<vmem>>, vector<256x16xi32>
    tpu.vector_store %arg3[%swap3A, %swap3A_133], %concatenate3A {strides = array<i32>} : memref<256x16xi32, #tpu.memory_space<vmem>>, vector<256x16xi32>,
    return
  }
  func.func @transform_0(%arg0: i32) -> (i32, i32) {
    %c0_i32 = arith.constant 0 : i32
    %c0_i32_0 = arith.constant 0 : i32
    return %arg0, %c0_i32 : i32, i32
  }
  func.func @transform_1(%arg0: i32) -> (i32, i32) {
    %c0_i32 = arith.constant 0 : i32
    %c0_i32_0 = arith.constant 0 : i32
    %c0_i32_1 = arith.constant 0 : i32
    return %c0_i32, %c0_i32_0 : i32, i32
  }
  func.func @transform_2(%arg0: i32) -> (i32, i32) {
    %c0_i32 = arith.constant 0 : i32
    %c0_i32_0 = arith.constant 0 : i32
    return %arg0, %c0_i32 : i32, i32
  }
}

module attributes {stable_mosaic.version = 14 : i64} {
  func.func @_qkv_body(%arg0: i32, %arg1: memref<512x256xf32, #tpu.memory_space<vmem>>, %arg2: memref<256x256xf32, #tpu.memory_space<vmem>>, %arg3: memref<1x256xf32, #tpu.memory_space<vmem>>, %arg4: memref<256x256xf32, #tpu.memory_space<vmem>>, %arg5: memref<1x256xf32, #tpu.memory_space<vmem>>, %arg6: memref<256x256xf32, #tpu.memory_space<vmem>>, %arg7: memref<1x256xf32, #tpu.memory_space<vmem>>, %arg8: memref<512x256xf32, #tpu.memory_space<vmem>>, %arg9: memref<512x256xf32, #tpu.memory_space<vmem>>, %arg10: memref<512x256xf32, #tpu.memory_space<vmem>>) attributes {dimension_semantics = [#tpu.dimension_semantics<arbitrary>], iteration_bounds = array<i64: 16>, scalar_prefetch = 0 : i64, scratch_operands = 0 : i64, tpu.core_type = #tpu.core_type<tc>, window_params = [{transform_indices = @transform_0, window_bounds = array<i64: 512, 256>}, {pipeline_mode = #tpu.pipeline_mode<synchronous>, transform_indices = @transform_1, window_bounds = array<i64: 256, 256>}, {pipeline_mode = #tpu.pipeline_mode<synchronous>, transform_indices = @transform_2, window_bounds = array<i64: 1, 256>}, {pipeline_mode = #tpu.pipeline_mode<synchronous>, transform_indices = @transform_3, window_bounds = array<i64: 256, 256>}, {pipeline_mode = #tpu.pipeline_mode<synchronous>, transform_indices = @transform_4, window_bounds = array<i64: 1, 256>}, {pipeline_mode = #tpu.pipeline_mode<synchronous>, transform_indices = @transform_5, window_bounds = array<i64: 256, 256>}, {pipeline_mode = #tpu.pipeline_mode<synchronous>, transform_indices = @transform_6, window_bounds = array<i64: 1, 256>}, {transform_indices = @transform_7, window_bounds = array<i64: 512, 256>}, {transform_indices = @transform_8, window_bounds = array<i64: 512, 256>}, {transform_indices = @transform_9, window_bounds = array<i64: 512, 256>}]} {
    %get3A = arith.constant 0 : index
    %get3A_0 = arith.constant 0 : index
    %get3A_1 = vector.load %arg1[%get3A, %get3A_0] : memref<512x256xf32, #tpu.memory_space<vmem>>, vector<512x256xf32>
    %convert_element_type3A = arith.truncf %get3A_1 : vector<512x256xf32> to vector<512x256xbf16>
    %get3A_2 = arith.constant 0 : index
    %get3A_3 = arith.constant 0 : index
    %get3A_4 = vector.load %arg2[%get3A_2, %get3A_3] : memref<256x256xf32, #tpu.memory_space<vmem>>, vector<256x256xf32>
    %convert_element_type3A_5 = arith.truncf %get3A_4 : vector<256x256xf32> to vector<256x256xbf16>
    %dot_general3A = arith.constant dense<0.000000e+00> : vector<512x256xf32>
    %dot_general3A_6 = tpu.matmul %convert_element_type3A, %convert_element_type3A_5, %dot_general3A {dimension_numbers = #tpu.dot_dimension_numbers<[1], [0], [0], [1], [0, 0, 1, 1], [], []>, transpose_lhs_hint = false} : vector<512x256xbf16>, vector<256x256xbf16>, vector<512x256xf32> -> vector<512x256xf32>
    %get3A_7 = arith.constant 0 : index
    %get3A_8 = arith.constant 0 : index
    %get3A_9 = vector.load %arg3[%get3A_7, %get3A_8] : memref<1x256xf32, #tpu.memory_space<vmem>>, vector<1x256xf32>
    %add3A = vector.broadcast %get3A_9 : vector<1x256xf32> to vector<512x256xf32>
    %add3A_10 = arith.addf %dot_general3A_6, %add3A : vector<512x256xf32>
    %swap3A = arith.constant 0 : index
    %swap3A_11 = arith.constant 0 : index
    %swap3A_12 = vector.load %arg8[%swap3A, %swap3A_11] : memref<512x256xf32, #tpu.memory_space<vmem>>, vector<512x256xf32>
    tpu.vector_store %arg8[%swap3A, %swap3A_11], %add3A_10 {strides = array<i32>} : memref<512x256xf32, #tpu.memory_space<vmem>>, vector<512x256xf32>,
    %get3A_13 = arith.constant 0 : index
    %get3A_14 = arith.constant 0 : index
    %get3A_15 = vector.load %arg4[%get3A_13, %get3A_14] : memref<256x256xf32, #tpu.memory_space<vmem>>, vector<256x256xf32>
    %convert_element_type3A_16 = arith.truncf %get3A_15 : vector<256x256xf32> to vector<256x256xbf16>
    %dot_general3A_17 = arith.constant dense<0.000000e+00> : vector<512x256xf32>
    %dot_general3A_18 = tpu.matmul %convert_element_type3A, %convert_element_type3A_16, %dot_general3A_17 {dimension_numbers = #tpu.dot_dimension_numbers<[1], [0], [0], [1], [0, 0, 1, 1], [], []>, transpose_lhs_hint = false} : vector<512x256xbf16>, vector<256x256xbf16>, vector<512x256xf32> -> vector<512x256xf32>
    %get3A_19 = arith.constant 0 : index
    %get3A_20 = arith.constant 0 : index
    %get3A_21 = vector.load %arg5[%get3A_19, %get3A_20] : memref<1x256xf32, #tpu.memory_space<vmem>>, vector<1x256xf32>
    %add3A_22 = vector.broadcast %get3A_21 : vector<1x256xf32> to vector<512x256xf32>
    %add3A_23 = arith.addf %dot_general3A_18, %add3A_22 : vector<512x256xf32>
    %swap3A_24 = arith.constant 0 : index
    %swap3A_25 = arith.constant 0 : index
    %swap3A_26 = vector.load %arg9[%swap3A_24, %swap3A_25] : memref<512x256xf32, #tpu.memory_space<vmem>>, vector<512x256xf32>
    tpu.vector_store %arg9[%swap3A_24, %swap3A_25], %add3A_23 {strides = array<i32>} : memref<512x256xf32, #tpu.memory_space<vmem>>, vector<512x256xf32>,
    %get3A_27 = arith.constant 0 : index
    %get3A_28 = arith.constant 0 : index
    %get3A_29 = vector.load %arg6[%get3A_27, %get3A_28] : memref<256x256xf32, #tpu.memory_space<vmem>>, vector<256x256xf32>
    %convert_element_type3A_30 = arith.truncf %get3A_29 : vector<256x256xf32> to vector<256x256xbf16>
    %dot_general3A_31 = arith.constant dense<0.000000e+00> : vector<512x256xf32>
    %dot_general3A_32 = tpu.matmul %convert_element_type3A, %convert_element_type3A_30, %dot_general3A_31 {dimension_numbers = #tpu.dot_dimension_numbers<[1], [0], [0], [1], [0, 0, 1, 1], [], []>, transpose_lhs_hint = false} : vector<512x256xbf16>, vector<256x256xbf16>, vector<512x256xf32> -> vector<512x256xf32>
    %get3A_33 = arith.constant 0 : index
    %get3A_34 = arith.constant 0 : index
    %get3A_35 = vector.load %arg7[%get3A_33, %get3A_34] : memref<1x256xf32, #tpu.memory_space<vmem>>, vector<1x256xf32>
    %add3A_36 = vector.broadcast %get3A_35 : vector<1x256xf32> to vector<512x256xf32>
    %add3A_37 = arith.addf %dot_general3A_32, %add3A_36 : vector<512x256xf32>
    %swap3A_38 = arith.constant 0 : index
    %swap3A_39 = arith.constant 0 : index
    %swap3A_40 = vector.load %arg10[%swap3A_38, %swap3A_39] : memref<512x256xf32, #tpu.memory_space<vmem>>, vector<512x256xf32>
    tpu.vector_store %arg10[%swap3A_38, %swap3A_39], %add3A_37 {strides = array<i32>} : memref<512x256xf32, #tpu.memory_space<vmem>>, vector<512x256xf32>,
    return
  }
  func.func @transform_0(%arg0: i32) -> (i32, i32) {
    %c0_i32 = arith.constant 0 : i32
    %c0_i32_0 = arith.constant 0 : i32
    return %arg0, %c0_i32 : i32, i32
  }
  func.func @transform_1(%arg0: i32) -> (i32, i32) {
    %c0_i32 = arith.constant 0 : i32
    %c0_i32_0 = arith.constant 0 : i32
    %c0_i32_1 = arith.constant 0 : i32
    return %c0_i32, %c0_i32_0 : i32, i32
  }
  func.func @transform_2(%arg0: i32) -> (i32, i32) {
    %c0_i32 = arith.constant 0 : i32
    %c0_i32_0 = arith.constant 0 : i32
    %c0_i32_1 = arith.constant 0 : i32
    return %c0_i32, %c0_i32_0 : i32, i32
  }
  func.func @transform_3(%arg0: i32) -> (i32, i32) {
    %c0_i32 = arith.constant 0 : i32
    %c0_i32_0 = arith.constant 0 : i32
    %c0_i32_1 = arith.constant 0 : i32
    return %c0_i32, %c0_i32_0 : i32, i32
  }
  func.func @transform_4(%arg0: i32) -> (i32, i32) {
    %c0_i32 = arith.constant 0 : i32
    %c0_i32_0 = arith.constant 0 : i32
    %c0_i32_1 = arith.constant 0 : i32
    return %c0_i32, %c0_i32_0 : i32, i32
  }
  func.func @transform_5(%arg0: i32) -> (i32, i32) {
    %c0_i32 = arith.constant 0 : i32
    %c0_i32_0 = arith.constant 0 : i32
    %c0_i32_1 = arith.constant 0 : i32
    return %c0_i32, %c0_i32_0 : i32, i32
  }
  func.func @transform_6(%arg0: i32) -> (i32, i32) {
    %c0_i32 = arith.constant 0 : i32
    %c0_i32_0 = arith.constant 0 : i32
    %c0_i32_1 = arith.constant 0 : i32
    return %c0_i32, %c0_i32_0 : i32, i32
  }
  func.func @transform_7(%arg0: i32) -> (i32, i32) {
    %c0_i32 = arith.constant 0 : i32
    %c0_i32_0 = arith.constant 0 : i32
    return %arg0, %c0_i32 : i32, i32
  }
  func.func @transform_8(%arg0: i32) -> (i32, i32) {
    %c0_i32 = arith.constant 0 : i32
    %c0_i32_0 = arith.constant 0 : i32
    return %arg0, %c0_i32 : i32, i32
  }
  func.func @transform_9(%arg0: i32) -> (i32, i32) {
    %c0_i32 = arith.constant 0 : i32
    %c0_i32_0 = arith.constant 0 : i32
    return %arg0, %c0_i32 : i32, i32
  }
}

module attributes {stable_mosaic.version = 14 : i64} {
  func.func @_fuse_body(%arg0: i32, %arg1: memref<16x256x256xf32, #tpu.memory_space<vmem>>, %arg2: memref<16x256x256xf32, #tpu.memory_space<vmem>>, %arg3: memref<16x256x16xf32, #tpu.memory_space<vmem>>, %arg4: memref<256x256xf32, #tpu.memory_space<vmem>>, %arg5: memref<256x16xf32, #tpu.memory_space<vmem>>, %arg6: memref<16x16xf32, #tpu.memory_space<vmem>>, %arg7: memref<1x16xf32, #tpu.memory_space<vmem>>, %arg8: memref<16x256xf32, #tpu.memory_space<vmem>>, %arg9: memref<1x256xf32, #tpu.memory_space<vmem>>, %arg10: memref<1x256xf32, #tpu.memory_space<vmem>>, %arg11: memref<1x256xf32, #tpu.memory_space<vmem>>, %arg12: memref<256x32xf32, #tpu.memory_space<vmem>>, %arg13: memref<1x32xf32, #tpu.memory_space<vmem>>, %arg14: memref<32x32xf32, #tpu.memory_space<vmem>>, %arg15: memref<1x32xf32, #tpu.memory_space<vmem>>, %arg16: memref<256x256xf32, #tpu.memory_space<vmem>>) attributes {dimension_semantics = [#tpu.dimension_semantics<arbitrary>], iteration_bounds = array<i64: 16>, scalar_prefetch = 0 : i64, scratch_operands = 0 : i64, tpu.core_type = #tpu.core_type<tc>, window_params = [{transform_indices = @transform_0, window_bounds = array<i64: 16, 256, 256>}, {transform_indices = @transform_1, window_bounds = array<i64: 16, 256, 256>}, {transform_indices = @transform_2, window_bounds = array<i64: 16, 256, 16>}, {transform_indices = @transform_3, window_bounds = array<i64: 256, 256>}, {transform_indices = @transform_4, window_bounds = array<i64: 256, 16>}, {pipeline_mode = #tpu.pipeline_mode<synchronous>, transform_indices = @transform_5, window_bounds = array<i64: 16, 16>}, {pipeline_mode = #tpu.pipeline_mode<synchronous>, transform_indices = @transform_6, window_bounds = array<i64: 1, 16>}, {pipeline_mode = #tpu.pipeline_mode<synchronous>, transform_indices = @transform_7, window_bounds = array<i64: 16, 256>}, {pipeline_mode = #tpu.pipeline_mode<synchronous>, transform_indices = @transform_8, window_bounds = array<i64: 1, 256>}, {pipeline_mode = #tpu.pipeline_mode<synchronous>, transform_indices = @transform_9, window_bounds = array<i64: 1, 256>}, {pipeline_mode = #tpu.pipeline_mode<synchronous>, transform_indices = @transform_10, window_bounds = array<i64: 1, 256>}, {pipeline_mode = #tpu.pipeline_mode<synchronous>, transform_indices = @transform_11, window_bounds = array<i64: 256, 32>}, {pipeline_mode = #tpu.pipeline_mode<synchronous>, transform_indices = @transform_12, window_bounds = array<i64: 1, 32>}, {pipeline_mode = #tpu.pipeline_mode<synchronous>, transform_indices = @transform_13, window_bounds = array<i64: 32, 32>}, {pipeline_mode = #tpu.pipeline_mode<synchronous>, transform_indices = @transform_14, window_bounds = array<i64: 1, 32>}, {transform_indices = @transform_15, window_bounds = array<i64: 256, 256>}]} {
    %get3A = arith.constant 0 : index
    %get3A_0 = arith.constant 0 : index
    %get3A_1 = vector.load %arg4[%get3A, %get3A_0] : memref<256x256xf32, #tpu.memory_space<vmem>>, vector<256x256xf32>
    %get3A_2 = arith.constant 0 : index
    %get3A_3 = arith.constant 0 : index
    %get3A_4 = vector.load %arg5[%get3A_2, %get3A_3] : memref<256x16xf32, #tpu.memory_space<vmem>>, vector<256x16xf32>
    %get3A_5 = arith.constant 0 : index
    %get3A_6 = arith.constant 0 : index
    %get3A_7 = vector.load %arg6[%get3A_5, %get3A_6] : memref<16x16xf32, #tpu.memory_space<vmem>>, vector<16x16xf32>
    %get3A_8 = arith.constant 0 : index
    %get3A_9 = arith.constant 0 : index
    %get3A_10 = vector.load %arg7[%get3A_8, %get3A_9] : memref<1x16xf32, #tpu.memory_space<vmem>>, vector<1x16xf32>
    %get3A_11 = arith.constant 0 : index
    %get3A_12 = arith.constant 0 : index
    %get3A_13 = vector.load %arg8[%get3A_11, %get3A_12] : memref<16x256xf32, #tpu.memory_space<vmem>>, vector<16x256xf32>
    %get3A_14 = arith.constant 0 : index
    %get3A_15 = arith.constant 0 : index
    %get3A_16 = vector.load %arg9[%get3A_14, %get3A_15] : memref<1x256xf32, #tpu.memory_space<vmem>>, vector<1x256xf32>
    %get3A_17 = arith.constant 0 : index
    %get3A_18 = arith.constant 0 : index
    %get3A_19 = vector.load %arg10[%get3A_17, %get3A_18] : memref<1x256xf32, #tpu.memory_space<vmem>>, vector<1x256xf32>
    %get3A_20 = arith.constant 0 : index
    %get3A_21 = arith.constant 0 : index
    %get3A_22 = vector.load %arg11[%get3A_20, %get3A_21] : memref<1x256xf32, #tpu.memory_space<vmem>>, vector<1x256xf32>
    %get3A_23 = arith.constant 0 : index
    %get3A_24 = arith.constant 0 : index
    %get3A_25 = vector.load %arg12[%get3A_23, %get3A_24] : memref<256x32xf32, #tpu.memory_space<vmem>>, vector<256x32xf32>
    %get3A_26 = arith.constant 0 : index
    %get3A_27 = arith.constant 0 : index
    %get3A_28 = vector.load %arg13[%get3A_26, %get3A_27] : memref<1x32xf32, #tpu.memory_space<vmem>>, vector<1x32xf32>
    %get3A_29 = arith.constant 0 : index
    %get3A_30 = arith.constant 0 : index
    %get3A_31 = vector.load %arg14[%get3A_29, %get3A_30] : memref<32x32xf32, #tpu.memory_space<vmem>>, vector<32x32xf32>
    %get3A_32 = arith.constant 0 : index
    %get3A_33 = arith.constant 0 : index
    %get3A_34 = vector.load %arg15[%get3A_32, %get3A_33] : memref<1x32xf32, #tpu.memory_space<vmem>>, vector<1x32xf32>
    %get3A_35 = arith.constant 0 : index
    %get3A_36 = arith.constant 0 : index
    %get3A_37 = arith.constant 0 : index
    %get3A_38 = vector.load %arg3[%get3A_35, %get3A_36, %get3A_37] : memref<16x256x16xf32, #tpu.memory_space<vmem>>, vector<1x256x16xf32>
    %get3A_39 = vector.shape_cast %get3A_38 : vector<1x256x16xf32> to vector<256x16xf32>
    %sub3A = arith.subf %get3A_39, %get3A_4 : vector<256x16xf32>
    %dot_general3A = arith.constant dense<0.000000e+00> : vector<256x16xf32>
    %dot_general3A_40 = tpu.matmul %sub3A, %get3A_7, %dot_general3A {dimension_numbers = #tpu.dot_dimension_numbers<[1], [0], [0], [1], [0, 0, 1, 1], [], []>, transpose_lhs_hint = false} : vector<256x16xf32>, vector<16x16xf32>, vector<256x16xf32> -> vector<256x16xf32>
    %add3A = vector.broadcast %get3A_10 : vector<1x16xf32> to vector<256x16xf32>
    %add3A_41 = arith.addf %dot_general3A_40, %add3A : vector<256x16xf32>
    %max3A = arith.constant 0.000000e+00 : f32
    %max3A_42 = vector.broadcast %max3A : f32 to vector<256x16xf32>
    %max3A_43 = arith.maximumf %add3A_41, %max3A_42 : vector<256x16xf32>
    %dot_general3A_44 = arith.constant dense<0.000000e+00> : vector<256x256xf32>
    %dot_general3A_45 = tpu.matmul %max3A_43, %get3A_13, %dot_general3A_44 {dimension_numbers = #tpu.dot_dimension_numbers<[1], [0], [0], [1], [0, 0, 1, 1], [], []>, transpose_lhs_hint = false} : vector<256x16xf32>, vector<16x256xf32>, vector<256x256xf32> -> vector<256x256xf32>
    %add3A_46 = vector.broadcast %get3A_16 : vector<1x256xf32> to vector<256x256xf32>
    %add3A_47 = arith.addf %dot_general3A_45, %add3A_46 : vector<256x256xf32>
    %get3A_48 = arith.constant 0 : index
    %get3A_49 = arith.constant 0 : index
    %get3A_50 = arith.constant 0 : index
    %get3A_51 = vector.load %arg1[%get3A_48, %get3A_49, %get3A_50] : memref<16x256x256xf32, #tpu.memory_space<vmem>>, vector<1x256x256xf32>
    %get3A_52 = vector.shape_cast %get3A_51 : vector<1x256x256xf32> to vector<256x256xf32>
    %sub3A_53 = arith.subf %get3A_52, %get3A_1 : vector<256x256xf32>
    %add3A_54 = arith.addf %sub3A_53, %add3A_47 : vector<256x256xf32>
    %mul3A = vector.broadcast %get3A_19 : vector<1x256xf32> to vector<256x256xf32>
    %mul3A_55 = arith.mulf %add3A_54, %mul3A : vector<256x256xf32>
    %add3A_56 = vector.broadcast %get3A_22 : vector<1x256xf32> to vector<256x256xf32>
    %add3A_57 = arith.addf %mul3A_55, %add3A_56 : vector<256x256xf32>
    %max3A_58 = arith.constant 0.000000e+00 : f32
    %max3A_59 = vector.broadcast %max3A_58 : f32 to vector<256x256xf32>
    %max3A_60 = arith.maximumf %add3A_57, %max3A_59 : vector<256x256xf32>
    %convert_element_type3A = arith.truncf %max3A_60 : vector<256x256xf32> to vector<256x256xbf16>
    %convert_element_type3A_61 = arith.truncf %get3A_25 : vector<256x32xf32> to vector<256x32xbf16>
    %dot_general3A_62 = arith.constant dense<0.000000e+00> : vector<256x32xf32>
    %dot_general3A_63 = tpu.matmul %convert_element_type3A, %convert_element_type3A_61, %dot_general3A_62 {dimension_numbers = #tpu.dot_dimension_numbers<[1], [0], [0], [1], [0, 0, 1, 1], [], []>, transpose_lhs_hint = false} : vector<256x256xbf16>, vector<256x32xbf16>, vector<256x32xf32> -> vector<256x32xf32>
    %add3A_64 = vector.broadcast %get3A_28 : vector<1x32xf32> to vector<256x32xf32>
    %add3A_65 = arith.addf %dot_general3A_63, %add3A_64 : vector<256x32xf32>
    %max3A_66 = arith.constant 0.000000e+00 : f32
    %max3A_67 = vector.broadcast %max3A_66 : f32 to vector<256x32xf32>
    %max3A_68 = arith.maximumf %add3A_65, %max3A_67 : vector<256x32xf32>
    %convert_element_type3A_69 = arith.truncf %max3A_68 : vector<256x32xf32> to vector<256x32xbf16>
    %convert_element_type3A_70 = arith.truncf %get3A_31 : vector<32x32xf32> to vector<32x32xbf16>
    %dot_general3A_71 = arith.constant dense<0.000000e+00> : vector<256x32xf32>
    %dot_general3A_72 = tpu.matmul %convert_element_type3A_69, %convert_element_type3A_70, %dot_general3A_71 {dimension_numbers = #tpu.dot_dimension_numbers<[1], [0], [0], [1], [0, 0, 1, 1], [], []>, transpose_lhs_hint = false} : vector<256x32xbf16>, vector<32x32xbf16>, vector<256x32xf32> -> vector<256x32xf32>
    %add3A_73 = vector.broadcast %get3A_34 : vector<1x32xf32> to vector<256x32xf32>
    %add3A_74 = arith.addf %dot_general3A_72, %add3A_73 : vector<256x32xf32>
    %get3A_75 = arith.constant 1 : index
    %get3A_76 = arith.constant 0 : index
    %get3A_77 = arith.constant 0 : index
    %get3A_78 = vector.load %arg3[%get3A_75, %get3A_76, %get3A_77] : memref<16x256x16xf32, #tpu.memory_space<vmem>>, vector<1x256x16xf32>
    %get3A_79 = vector.shape_cast %get3A_78 : vector<1x256x16xf32> to vector<256x16xf32>
    %sub3A_80 = arith.subf %get3A_79, %get3A_4 : vector<256x16xf32>
    %dot_general3A_81 = arith.constant dense<0.000000e+00> : vector<256x16xf32>
    %dot_general3A_82 = tpu.matmul %sub3A_80, %get3A_7, %dot_general3A_81 {dimension_numbers = #tpu.dot_dimension_numbers<[1], [0], [0], [1], [0, 0, 1, 1], [], []>, transpose_lhs_hint = false} : vector<256x16xf32>, vector<16x16xf32>, vector<256x16xf32> -> vector<256x16xf32>
    %add3A_83 = vector.broadcast %get3A_10 : vector<1x16xf32> to vector<256x16xf32>
    %add3A_84 = arith.addf %dot_general3A_82, %add3A_83 : vector<256x16xf32>
    %max3A_85 = arith.constant 0.000000e+00 : f32
    %max3A_86 = vector.broadcast %max3A_85 : f32 to vector<256x16xf32>
    %max3A_87 = arith.maximumf %add3A_84, %max3A_86 : vector<256x16xf32>
    %dot_general3A_88 = arith.constant dense<0.000000e+00> : vector<256x256xf32>
    %dot_general3A_89 = tpu.matmul %max3A_87, %get3A_13, %dot_general3A_88 {dimension_numbers = #tpu.dot_dimension_numbers<[1], [0], [0], [1], [0, 0, 1, 1], [], []>, transpose_lhs_hint = false} : vector<256x16xf32>, vector<16x256xf32>, vector<256x256xf32> -> vector<256x256xf32>
    %add3A_90 = vector.broadcast %get3A_16 : vector<1x256xf32> to vector<256x256xf32>
    %add3A_91 = arith.addf %dot_general3A_89, %add3A_90 : vector<256x256xf32>
    %get3A_92 = arith.constant 1 : index
    %get3A_93 = arith.constant 0 : index
    %get3A_94 = arith.constant 0 : index
    %get3A_95 = vector.load %arg1[%get3A_92, %get3A_93, %get3A_94] : memref<16x256x256xf32, #tpu.memory_space<vmem>>, vector<1x256x256xf32>
    %get3A_96 = vector.shape_cast %get3A_95 : vector<1x256x256xf32> to vector<256x256xf32>
    %sub3A_97 = arith.subf %get3A_96, %get3A_1 : vector<256x256xf32>
    %add3A_98 = arith.addf %sub3A_97, %add3A_91 : vector<256x256xf32>
    %mul3A_99 = vector.broadcast %get3A_19 : vector<1x256xf32> to vector<256x256xf32>
    %mul3A_100 = arith.mulf %add3A_98, %mul3A_99 : vector<256x256xf32>
    %add3A_101 = vector.broadcast %get3A_22 : vector<1x256xf32> to vector<256x256xf32>
    %add3A_102 = arith.addf %mul3A_100, %add3A_101 : vector<256x256xf32>
    %max3A_103 = arith.constant 0.000000e+00 : f32
    %max3A_104 = vector.broadcast %max3A_103 : f32 to vector<256x256xf32>
    %max3A_105 = arith.maximumf %add3A_102, %max3A_104 : vector<256x256xf32>
    %convert_element_type3A_106 = arith.truncf %max3A_105 : vector<256x256xf32> to vector<256x256xbf16>
    %convert_element_type3A_107 = arith.truncf %get3A_25 : vector<256x32xf32> to vector<256x32xbf16>
    %dot_general3A_108 = arith.constant dense<0.000000e+00> : vector<256x32xf32>
    %dot_general3A_109 = tpu.matmul %convert_element_type3A_106, %convert_element_type3A_107, %dot_general3A_108 {dimension_numbers = #tpu.dot_dimension_numbers<[1], [0], [0], [1], [0, 0, 1, 1], [], []>, transpose_lhs_hint = false} : vector<256x256xbf16>, vector<256x32xbf16>, vector<256x32xf32> -> vector<256x32xf32>
    %add3A_110 = vector.broadcast %get3A_28 : vector<1x32xf32> to vector<256x32xf32>
    %add3A_111 = arith.addf %dot_general3A_109, %add3A_110 : vector<256x32xf32>
    %max3A_112 = arith.constant 0.000000e+00 : f32
    %max3A_113 = vector.broadcast %max3A_112 : f32 to vector<256x32xf32>
    %max3A_114 = arith.maximumf %add3A_111, %max3A_113 : vector<256x32xf32>
    %convert_element_type3A_115 = arith.truncf %max3A_114 : vector<256x32xf32> to vector<256x32xbf16>
    %convert_element_type3A_116 = arith.truncf %get3A_31 : vector<32x32xf32> to vector<32x32xbf16>
    %dot_general3A_117 = arith.constant dense<0.000000e+00> : vector<256x32xf32>
    %dot_general3A_118 = tpu.matmul %convert_element_type3A_115, %convert_element_type3A_116, %dot_general3A_117 {dimension_numbers = #tpu.dot_dimension_numbers<[1], [0], [0], [1], [0, 0, 1, 1], [], []>, transpose_lhs_hint = false} : vector<256x32xbf16>, vector<32x32xbf16>, vector<256x32xf32> -> vector<256x32xf32>
    %add3A_119 = vector.broadcast %get3A_34 : vector<1x32xf32> to vector<256x32xf32>
    %add3A_120 = arith.addf %dot_general3A_118, %add3A_119 : vector<256x32xf32>
    %get3A_121 = arith.constant 2 : index
    %get3A_122 = arith.constant 0 : index
    %get3A_123 = arith.constant 0 : index
    %get3A_124 = vector.load %arg3[%get3A_121, %get3A_122, %get3A_123] : memref<16x256x16xf32, #tpu.memory_space<vmem>>, vector<1x256x16xf32>
    %get3A_125 = vector.shape_cast %get3A_124 : vector<1x256x16xf32> to vector<256x16xf32>
    %sub3A_126 = arith.subf %get3A_125, %get3A_4 : vector<256x16xf32>
    %dot_general3A_127 = arith.constant dense<0.000000e+00> : vector<256x16xf32>
    %dot_general3A_128 = tpu.matmul %sub3A_126, %get3A_7, %dot_general3A_127 {dimension_numbers = #tpu.dot_dimension_numbers<[1], [0], [0], [1], [0, 0, 1, 1], [], []>, transpose_lhs_hint = false} : vector<256x16xf32>, vector<16x16xf32>, vector<256x16xf32> -> vector<256x16xf32>
    %add3A_129 = vector.broadcast %get3A_10 : vector<1x16xf32> to vector<256x16xf32>
    %add3A_130 = arith.addf %dot_general3A_128, %add3A_129 : vector<256x16xf32>
    %max3A_131 = arith.constant 0.000000e+00 : f32
    %max3A_132 = vector.broadcast %max3A_131 : f32 to vector<256x16xf32>
    %max3A_133 = arith.maximumf %add3A_130, %max3A_132 : vector<256x16xf32>
    %dot_general3A_134 = arith.constant dense<0.000000e+00> : vector<256x256xf32>
    %dot_general3A_135 = tpu.matmul %max3A_133, %get3A_13, %dot_general3A_134 {dimension_numbers = #tpu.dot_dimension_numbers<[1], [0], [0], [1], [0, 0, 1, 1], [], []>, transpose_lhs_hint = false} : vector<256x16xf32>, vector<16x256xf32>, vector<256x256xf32> -> vector<256x256xf32>
    %add3A_136 = vector.broadcast %get3A_16 : vector<1x256xf32> to vector<256x256xf32>
    %add3A_137 = arith.addf %dot_general3A_135, %add3A_136 : vector<256x256xf32>
    %get3A_138 = arith.constant 2 : index
    %get3A_139 = arith.constant 0 : index
    %get3A_140 = arith.constant 0 : index
    %get3A_141 = vector.load %arg1[%get3A_138, %get3A_139, %get3A_140] : memref<16x256x256xf32, #tpu.memory_space<vmem>>, vector<1x256x256xf32>
    %get3A_142 = vector.shape_cast %get3A_141 : vector<1x256x256xf32> to vector<256x256xf32>
    %sub3A_143 = arith.subf %get3A_142, %get3A_1 : vector<256x256xf32>
    %add3A_144 = arith.addf %sub3A_143, %add3A_137 : vector<256x256xf32>
    %mul3A_145 = vector.broadcast %get3A_19 : vector<1x256xf32> to vector<256x256xf32>
    %mul3A_146 = arith.mulf %add3A_144, %mul3A_145 : vector<256x256xf32>
    %add3A_147 = vector.broadcast %get3A_22 : vector<1x256xf32> to vector<256x256xf32>
    %add3A_148 = arith.addf %mul3A_146, %add3A_147 : vector<256x256xf32>
    %max3A_149 = arith.constant 0.000000e+00 : f32
    %max3A_150 = vector.broadcast %max3A_149 : f32 to vector<256x256xf32>
    %max3A_151 = arith.maximumf %add3A_148, %max3A_150 : vector<256x256xf32>
    %convert_element_type3A_152 = arith.truncf %max3A_151 : vector<256x256xf32> to vector<256x256xbf16>
    %convert_element_type3A_153 = arith.truncf %get3A_25 : vector<256x32xf32> to vector<256x32xbf16>
    %dot_general3A_154 = arith.constant dense<0.000000e+00> : vector<256x32xf32>
    %dot_general3A_155 = tpu.matmul %convert_element_type3A_152, %convert_element_type3A_153, %dot_general3A_154 {dimension_numbers = #tpu.dot_dimension_numbers<[1], [0], [0], [1], [0, 0, 1, 1], [], []>, transpose_lhs_hint = false} : vector<256x256xbf16>, vector<256x32xbf16>, vector<256x32xf32> -> vector<256x32xf32>
    %add3A_156 = vector.broadcast %get3A_28 : vector<1x32xf32> to vector<256x32xf32>
    %add3A_157 = arith.addf %dot_general3A_155, %add3A_156 : vector<256x32xf32>
    %max3A_158 = arith.constant 0.000000e+00 : f32
    %max3A_159 = vector.broadcast %max3A_158 : f32 to vector<256x32xf32>
    %max3A_160 = arith.maximumf %add3A_157, %max3A_159 : vector<256x32xf32>
    %convert_element_type3A_161 = arith.truncf %max3A_160 : vector<256x32xf32> to vector<256x32xbf16>
    %convert_element_type3A_162 = arith.truncf %get3A_31 : vector<32x32xf32> to vector<32x32xbf16>
    %dot_general3A_163 = arith.constant dense<0.000000e+00> : vector<256x32xf32>
    %dot_general3A_164 = tpu.matmul %convert_element_type3A_161, %convert_element_type3A_162, %dot_general3A_163 {dimension_numbers = #tpu.dot_dimension_numbers<[1], [0], [0], [1], [0, 0, 1, 1], [], []>, transpose_lhs_hint = false} : vector<256x32xbf16>, vector<32x32xbf16>, vector<256x32xf32> -> vector<256x32xf32>
    %add3A_165 = vector.broadcast %get3A_34 : vector<1x32xf32> to vector<256x32xf32>
    %add3A_166 = arith.addf %dot_general3A_164, %add3A_165 : vector<256x32xf32>
    %get3A_167 = arith.constant 3 : index
    %get3A_168 = arith.constant 0 : index
    %get3A_169 = arith.constant 0 : index
    %get3A_170 = vector.load %arg3[%get3A_167, %get3A_168, %get3A_169] : memref<16x256x16xf32, #tpu.memory_space<vmem>>, vector<1x256x16xf32>
    %get3A_171 = vector.shape_cast %get3A_170 : vector<1x256x16xf32> to vector<256x16xf32>
    %sub3A_172 = arith.subf %get3A_171, %get3A_4 : vector<256x16xf32>
    %dot_general3A_173 = arith.constant dense<0.000000e+00> : vector<256x16xf32>
    %dot_general3A_174 = tpu.matmul %sub3A_172, %get3A_7, %dot_general3A_173 {dimension_numbers = #tpu.dot_dimension_numbers<[1], [0], [0], [1], [0, 0, 1, 1], [], []>, transpose_lhs_hint = false} : vector<256x16xf32>, vector<16x16xf32>, vector<256x16xf32> -> vector<256x16xf32>
    %add3A_175 = vector.broadcast %get3A_10 : vector<1x16xf32> to vector<256x16xf32>
    %add3A_176 = arith.addf %dot_general3A_174, %add3A_175 : vector<256x16xf32>
    %max3A_177 = arith.constant 0.000000e+00 : f32
    %max3A_178 = vector.broadcast %max3A_177 : f32 to vector<256x16xf32>
    %max3A_179 = arith.maximumf %add3A_176, %max3A_178 : vector<256x16xf32>
    %dot_general3A_180 = arith.constant dense<0.000000e+00> : vector<256x256xf32>
    %dot_general3A_181 = tpu.matmul %max3A_179, %get3A_13, %dot_general3A_180 {dimension_numbers = #tpu.dot_dimension_numbers<[1], [0], [0], [1], [0, 0, 1, 1], [], []>, transpose_lhs_hint = false} : vector<256x16xf32>, vector<16x256xf32>, vector<256x256xf32> -> vector<256x256xf32>
    %add3A_182 = vector.broadcast %get3A_16 : vector<1x256xf32> to vector<256x256xf32>
    %add3A_183 = arith.addf %dot_general3A_181, %add3A_182 : vector<256x256xf32>
    %get3A_184 = arith.constant 3 : index
    %get3A_185 = arith.constant 0 : index
    %get3A_186 = arith.constant 0 : index
    %get3A_187 = vector.load %arg1[%get3A_184, %get3A_185, %get3A_186] : memref<16x256x256xf32, #tpu.memory_space<vmem>>, vector<1x256x256xf32>
    %get3A_188 = vector.shape_cast %get3A_187 : vector<1x256x256xf32> to vector<256x256xf32>
    %sub3A_189 = arith.subf %get3A_188, %get3A_1 : vector<256x256xf32>
    %add3A_190 = arith.addf %sub3A_189, %add3A_183 : vector<256x256xf32>
    %mul3A_191 = vector.broadcast %get3A_19 : vector<1x256xf32> to vector<256x256xf32>
    %mul3A_192 = arith.mulf %add3A_190, %mul3A_191 : vector<256x256xf32>
    %add3A_193 = vector.broadcast %get3A_22 : vector<1x256xf32> to vector<256x256xf32>
    %add3A_194 = arith.addf %mul3A_192, %add3A_193 : vector<256x256xf32>
    %max3A_195 = arith.constant 0.000000e+00 : f32
    %max3A_196 = vector.broadcast %max3A_195 : f32 to vector<256x256xf32>
    %max3A_197 = arith.maximumf %add3A_194, %max3A_196 : vector<256x256xf32>
    %convert_element_type3A_198 = arith.truncf %max3A_197 : vector<256x256xf32> to vector<256x256xbf16>
    %convert_element_type3A_199 = arith.truncf %get3A_25 : vector<256x32xf32> to vector<256x32xbf16>
    %dot_general3A_200 = arith.constant dense<0.000000e+00> : vector<256x32xf32>
    %dot_general3A_201 = tpu.matmul %convert_element_type3A_198, %convert_element_type3A_199, %dot_general3A_200 {dimension_numbers = #tpu.dot_dimension_numbers<[1], [0], [0], [1], [0, 0, 1, 1], [], []>, transpose_lhs_hint = false} : vector<256x256xbf16>, vector<256x32xbf16>, vector<256x32xf32> -> vector<256x32xf32>
    %add3A_202 = vector.broadcast %get3A_28 : vector<1x32xf32> to vector<256x32xf32>
    %add3A_203 = arith.addf %dot_general3A_201, %add3A_202 : vector<256x32xf32>
    %max3A_204 = arith.constant 0.000000e+00 : f32
    %max3A_205 = vector.broadcast %max3A_204 : f32 to vector<256x32xf32>
    %max3A_206 = arith.maximumf %add3A_203, %max3A_205 : vector<256x32xf32>
    %convert_element_type3A_207 = arith.truncf %max3A_206 : vector<256x32xf32> to vector<256x32xbf16>
    %convert_element_type3A_208 = arith.truncf %get3A_31 : vector<32x32xf32> to vector<32x32xbf16>
    %dot_general3A_209 = arith.constant dense<0.000000e+00> : vector<256x32xf32>
    %dot_general3A_210 = tpu.matmul %convert_element_type3A_207, %convert_element_type3A_208, %dot_general3A_209 {dimension_numbers = #tpu.dot_dimension_numbers<[1], [0], [0], [1], [0, 0, 1, 1], [], []>, transpose_lhs_hint = false} : vector<256x32xbf16>, vector<32x32xbf16>, vector<256x32xf32> -> vector<256x32xf32>
    %add3A_211 = vector.broadcast %get3A_34 : vector<1x32xf32> to vector<256x32xf32>
    %add3A_212 = arith.addf %dot_general3A_210, %add3A_211 : vector<256x32xf32>
    %get3A_213 = arith.constant 4 : index
    %get3A_214 = arith.constant 0 : index
    %get3A_215 = arith.constant 0 : index
    %get3A_216 = vector.load %arg3[%get3A_213, %get3A_214, %get3A_215] : memref<16x256x16xf32, #tpu.memory_space<vmem>>, vector<1x256x16xf32>
    %get3A_217 = vector.shape_cast %get3A_216 : vector<1x256x16xf32> to vector<256x16xf32>
    %sub3A_218 = arith.subf %get3A_217, %get3A_4 : vector<256x16xf32>
    %dot_general3A_219 = arith.constant dense<0.000000e+00> : vector<256x16xf32>
    %dot_general3A_220 = tpu.matmul %sub3A_218, %get3A_7, %dot_general3A_219 {dimension_numbers = #tpu.dot_dimension_numbers<[1], [0], [0], [1], [0, 0, 1, 1], [], []>, transpose_lhs_hint = false} : vector<256x16xf32>, vector<16x16xf32>, vector<256x16xf32> -> vector<256x16xf32>
    %add3A_221 = vector.broadcast %get3A_10 : vector<1x16xf32> to vector<256x16xf32>
    %add3A_222 = arith.addf %dot_general3A_220, %add3A_221 : vector<256x16xf32>
    %max3A_223 = arith.constant 0.000000e+00 : f32
    %max3A_224 = vector.broadcast %max3A_223 : f32 to vector<256x16xf32>
    %max3A_225 = arith.maximumf %add3A_222, %max3A_224 : vector<256x16xf32>
    %dot_general3A_226 = arith.constant dense<0.000000e+00> : vector<256x256xf32>
    %dot_general3A_227 = tpu.matmul %max3A_225, %get3A_13, %dot_general3A_226 {dimension_numbers = #tpu.dot_dimension_numbers<[1], [0], [0], [1], [0, 0, 1, 1], [], []>, transpose_lhs_hint = false} : vector<256x16xf32>, vector<16x256xf32>, vector<256x256xf32> -> vector<256x256xf32>
    %add3A_228 = vector.broadcast %get3A_16 : vector<1x256xf32> to vector<256x256xf32>
    %add3A_229 = arith.addf %dot_general3A_227, %add3A_228 : vector<256x256xf32>
    %get3A_230 = arith.constant 4 : index
    %get3A_231 = arith.constant 0 : index
    %get3A_232 = arith.constant 0 : index
    %get3A_233 = vector.load %arg1[%get3A_230, %get3A_231, %get3A_232] : memref<16x256x256xf32, #tpu.memory_space<vmem>>, vector<1x256x256xf32>
    %get3A_234 = vector.shape_cast %get3A_233 : vector<1x256x256xf32> to vector<256x256xf32>
    %sub3A_235 = arith.subf %get3A_234, %get3A_1 : vector<256x256xf32>
    %add3A_236 = arith.addf %sub3A_235, %add3A_229 : vector<256x256xf32>
    %mul3A_237 = vector.broadcast %get3A_19 : vector<1x256xf32> to vector<256x256xf32>
    %mul3A_238 = arith.mulf %add3A_236, %mul3A_237 : vector<256x256xf32>
    %add3A_239 = vector.broadcast %get3A_22 : vector<1x256xf32> to vector<256x256xf32>
    %add3A_240 = arith.addf %mul3A_238, %add3A_239 : vector<256x256xf32>
    %max3A_241 = arith.constant 0.000000e+00 : f32
    %max3A_242 = vector.broadcast %max3A_241 : f32 to vector<256x256xf32>
    %max3A_243 = arith.maximumf %add3A_240, %max3A_242 : vector<256x256xf32>
    %convert_element_type3A_244 = arith.truncf %max3A_243 : vector<256x256xf32> to vector<256x256xbf16>
    %convert_element_type3A_245 = arith.truncf %get3A_25 : vector<256x32xf32> to vector<256x32xbf16>
    %dot_general3A_246 = arith.constant dense<0.000000e+00> : vector<256x32xf32>
    %dot_general3A_247 = tpu.matmul %convert_element_type3A_244, %convert_element_type3A_245, %dot_general3A_246 {dimension_numbers = #tpu.dot_dimension_numbers<[1], [0], [0], [1], [0, 0, 1, 1], [], []>, transpose_lhs_hint = false} : vector<256x256xbf16>, vector<256x32xbf16>, vector<256x32xf32> -> vector<256x32xf32>
    %add3A_248 = vector.broadcast %get3A_28 : vector<1x32xf32> to vector<256x32xf32>
    %add3A_249 = arith.addf %dot_general3A_247, %add3A_248 : vector<256x32xf32>
    %max3A_250 = arith.constant 0.000000e+00 : f32
    %max3A_251 = vector.broadcast %max3A_250 : f32 to vector<256x32xf32>
    %max3A_252 = arith.maximumf %add3A_249, %max3A_251 : vector<256x32xf32>
    %convert_element_type3A_253 = arith.truncf %max3A_252 : vector<256x32xf32> to vector<256x32xbf16>
    %convert_element_type3A_254 = arith.truncf %get3A_31 : vector<32x32xf32> to vector<32x32xbf16>
    %dot_general3A_255 = arith.constant dense<0.000000e+00> : vector<256x32xf32>
    %dot_general3A_256 = tpu.matmul %convert_element_type3A_253, %convert_element_type3A_254, %dot_general3A_255 {dimension_numbers = #tpu.dot_dimension_numbers<[1], [0], [0], [1], [0, 0, 1, 1], [], []>, transpose_lhs_hint = false} : vector<256x32xbf16>, vector<32x32xbf16>, vector<256x32xf32> -> vector<256x32xf32>
    %add3A_257 = vector.broadcast %get3A_34 : vector<1x32xf32> to vector<256x32xf32>
    %add3A_258 = arith.addf %dot_general3A_256, %add3A_257 : vector<256x32xf32>
    %get3A_259 = arith.constant 5 : index
    %get3A_260 = arith.constant 0 : index
    %get3A_261 = arith.constant 0 : index
    %get3A_262 = vector.load %arg3[%get3A_259, %get3A_260, %get3A_261] : memref<16x256x16xf32, #tpu.memory_space<vmem>>, vector<1x256x16xf32>
    %get3A_263 = vector.shape_cast %get3A_262 : vector<1x256x16xf32> to vector<256x16xf32>
    %sub3A_264 = arith.subf %get3A_263, %get3A_4 : vector<256x16xf32>
    %dot_general3A_265 = arith.constant dense<0.000000e+00> : vector<256x16xf32>
    %dot_general3A_266 = tpu.matmul %sub3A_264, %get3A_7, %dot_general3A_265 {dimension_numbers = #tpu.dot_dimension_numbers<[1], [0], [0], [1], [0, 0, 1, 1], [], []>, transpose_lhs_hint = false} : vector<256x16xf32>, vector<16x16xf32>, vector<256x16xf32> -> vector<256x16xf32>
    %add3A_267 = vector.broadcast %get3A_10 : vector<1x16xf32> to vector<256x16xf32>
    %add3A_268 = arith.addf %dot_general3A_266, %add3A_267 : vector<256x16xf32>
    %max3A_269 = arith.constant 0.000000e+00 : f32
    %max3A_270 = vector.broadcast %max3A_269 : f32 to vector<256x16xf32>
    %max3A_271 = arith.maximumf %add3A_268, %max3A_270 : vector<256x16xf32>
    %dot_general3A_272 = arith.constant dense<0.000000e+00> : vector<256x256xf32>
    %dot_general3A_273 = tpu.matmul %max3A_271, %get3A_13, %dot_general3A_272 {dimension_numbers = #tpu.dot_dimension_numbers<[1], [0], [0], [1], [0, 0, 1, 1], [], []>, transpose_lhs_hint = false} : vector<256x16xf32>, vector<16x256xf32>, vector<256x256xf32> -> vector<256x256xf32>
    %add3A_274 = vector.broadcast %get3A_16 : vector<1x256xf32> to vector<256x256xf32>
    %add3A_275 = arith.addf %dot_general3A_273, %add3A_274 : vector<256x256xf32>
    %get3A_276 = arith.constant 5 : index
    %get3A_277 = arith.constant 0 : index
    %get3A_278 = arith.constant 0 : index
    %get3A_279 = vector.load %arg1[%get3A_276, %get3A_277, %get3A_278] : memref<16x256x256xf32, #tpu.memory_space<vmem>>, vector<1x256x256xf32>
    %get3A_280 = vector.shape_cast %get3A_279 : vector<1x256x256xf32> to vector<256x256xf32>
    %sub3A_281 = arith.subf %get3A_280, %get3A_1 : vector<256x256xf32>
    %add3A_282 = arith.addf %sub3A_281, %add3A_275 : vector<256x256xf32>
    %mul3A_283 = vector.broadcast %get3A_19 : vector<1x256xf32> to vector<256x256xf32>
    %mul3A_284 = arith.mulf %add3A_282, %mul3A_283 : vector<256x256xf32>
    %add3A_285 = vector.broadcast %get3A_22 : vector<1x256xf32> to vector<256x256xf32>
    %add3A_286 = arith.addf %mul3A_284, %add3A_285 : vector<256x256xf32>
    %max3A_287 = arith.constant 0.000000e+00 : f32
    %max3A_288 = vector.broadcast %max3A_287 : f32 to vector<256x256xf32>
    %max3A_289 = arith.maximumf %add3A_286, %max3A_288 : vector<256x256xf32>
    %convert_element_type3A_290 = arith.truncf %max3A_289 : vector<256x256xf32> to vector<256x256xbf16>
    %convert_element_type3A_291 = arith.truncf %get3A_25 : vector<256x32xf32> to vector<256x32xbf16>
    %dot_general3A_292 = arith.constant dense<0.000000e+00> : vector<256x32xf32>
    %dot_general3A_293 = tpu.matmul %convert_element_type3A_290, %convert_element_type3A_291, %dot_general3A_292 {dimension_numbers = #tpu.dot_dimension_numbers<[1], [0], [0], [1], [0, 0, 1, 1], [], []>, transpose_lhs_hint = false} : vector<256x256xbf16>, vector<256x32xbf16>, vector<256x32xf32> -> vector<256x32xf32>
    %add3A_294 = vector.broadcast %get3A_28 : vector<1x32xf32> to vector<256x32xf32>
    %add3A_295 = arith.addf %dot_general3A_293, %add3A_294 : vector<256x32xf32>
    %max3A_296 = arith.constant 0.000000e+00 : f32
    %max3A_297 = vector.broadcast %max3A_296 : f32 to vector<256x32xf32>
    %max3A_298 = arith.maximumf %add3A_295, %max3A_297 : vector<256x32xf32>
    %convert_element_type3A_299 = arith.truncf %max3A_298 : vector<256x32xf32> to vector<256x32xbf16>
    %convert_element_type3A_300 = arith.truncf %get3A_31 : vector<32x32xf32> to vector<32x32xbf16>
    %dot_general3A_301 = arith.constant dense<0.000000e+00> : vector<256x32xf32>
    %dot_general3A_302 = tpu.matmul %convert_element_type3A_299, %convert_element_type3A_300, %dot_general3A_301 {dimension_numbers = #tpu.dot_dimension_numbers<[1], [0], [0], [1], [0, 0, 1, 1], [], []>, transpose_lhs_hint = false} : vector<256x32xbf16>, vector<32x32xbf16>, vector<256x32xf32> -> vector<256x32xf32>
    %add3A_303 = vector.broadcast %get3A_34 : vector<1x32xf32> to vector<256x32xf32>
    %add3A_304 = arith.addf %dot_general3A_302, %add3A_303 : vector<256x32xf32>
    %get3A_305 = arith.constant 6 : index
    %get3A_306 = arith.constant 0 : index
    %get3A_307 = arith.constant 0 : index
    %get3A_308 = vector.load %arg3[%get3A_305, %get3A_306, %get3A_307] : memref<16x256x16xf32, #tpu.memory_space<vmem>>, vector<1x256x16xf32>
    %get3A_309 = vector.shape_cast %get3A_308 : vector<1x256x16xf32> to vector<256x16xf32>
    %sub3A_310 = arith.subf %get3A_309, %get3A_4 : vector<256x16xf32>
    %dot_general3A_311 = arith.constant dense<0.000000e+00> : vector<256x16xf32>
    %dot_general3A_312 = tpu.matmul %sub3A_310, %get3A_7, %dot_general3A_311 {dimension_numbers = #tpu.dot_dimension_numbers<[1], [0], [0], [1], [0, 0, 1, 1], [], []>, transpose_lhs_hint = false} : vector<256x16xf32>, vector<16x16xf32>, vector<256x16xf32> -> vector<256x16xf32>
    %add3A_313 = vector.broadcast %get3A_10 : vector<1x16xf32> to vector<256x16xf32>
    %add3A_314 = arith.addf %dot_general3A_312, %add3A_313 : vector<256x16xf32>
    %max3A_315 = arith.constant 0.000000e+00 : f32
    %max3A_316 = vector.broadcast %max3A_315 : f32 to vector<256x16xf32>
    %max3A_317 = arith.maximumf %add3A_314, %max3A_316 : vector<256x16xf32>
    %dot_general3A_318 = arith.constant dense<0.000000e+00> : vector<256x256xf32>
    %dot_general3A_319 = tpu.matmul %max3A_317, %get3A_13, %dot_general3A_318 {dimension_numbers = #tpu.dot_dimension_numbers<[1], [0], [0], [1], [0, 0, 1, 1], [], []>, transpose_lhs_hint = false} : vector<256x16xf32>, vector<16x256xf32>, vector<256x256xf32> -> vector<256x256xf32>
    %add3A_320 = vector.broadcast %get3A_16 : vector<1x256xf32> to vector<256x256xf32>
    %add3A_321 = arith.addf %dot_general3A_319, %add3A_320 : vector<256x256xf32>
    %get3A_322 = arith.constant 6 : index
    %get3A_323 = arith.constant 0 : index
    %get3A_324 = arith.constant 0 : index
    %get3A_325 = vector.load %arg1[%get3A_322, %get3A_323, %get3A_324] : memref<16x256x256xf32, #tpu.memory_space<vmem>>, vector<1x256x256xf32>
    %get3A_326 = vector.shape_cast %get3A_325 : vector<1x256x256xf32> to vector<256x256xf32>
    %sub3A_327 = arith.subf %get3A_326, %get3A_1 : vector<256x256xf32>
    %add3A_328 = arith.addf %sub3A_327, %add3A_321 : vector<256x256xf32>
    %mul3A_329 = vector.broadcast %get3A_19 : vector<1x256xf32> to vector<256x256xf32>
    %mul3A_330 = arith.mulf %add3A_328, %mul3A_329 : vector<256x256xf32>
    %add3A_331 = vector.broadcast %get3A_22 : vector<1x256xf32> to vector<256x256xf32>
    %add3A_332 = arith.addf %mul3A_330, %add3A_331 : vector<256x256xf32>
    %max3A_333 = arith.constant 0.000000e+00 : f32
    %max3A_334 = vector.broadcast %max3A_333 : f32 to vector<256x256xf32>
    %max3A_335 = arith.maximumf %add3A_332, %max3A_334 : vector<256x256xf32>
    %convert_element_type3A_336 = arith.truncf %max3A_335 : vector<256x256xf32> to vector<256x256xbf16>
    %convert_element_type3A_337 = arith.truncf %get3A_25 : vector<256x32xf32> to vector<256x32xbf16>
    %dot_general3A_338 = arith.constant dense<0.000000e+00> : vector<256x32xf32>
    %dot_general3A_339 = tpu.matmul %convert_element_type3A_336, %convert_element_type3A_337, %dot_general3A_338 {dimension_numbers = #tpu.dot_dimension_numbers<[1], [0], [0], [1], [0, 0, 1, 1], [], []>, transpose_lhs_hint = false} : vector<256x256xbf16>, vector<256x32xbf16>, vector<256x32xf32> -> vector<256x32xf32>
    %add3A_340 = vector.broadcast %get3A_28 : vector<1x32xf32> to vector<256x32xf32>
    %add3A_341 = arith.addf %dot_general3A_339, %add3A_340 : vector<256x32xf32>
    %max3A_342 = arith.constant 0.000000e+00 : f32
    %max3A_343 = vector.broadcast %max3A_342 : f32 to vector<256x32xf32>
    %max3A_344 = arith.maximumf %add3A_341, %max3A_343 : vector<256x32xf32>
    %convert_element_type3A_345 = arith.truncf %max3A_344 : vector<256x32xf32> to vector<256x32xbf16>
    %convert_element_type3A_346 = arith.truncf %get3A_31 : vector<32x32xf32> to vector<32x32xbf16>
    %dot_general3A_347 = arith.constant dense<0.000000e+00> : vector<256x32xf32>
    %dot_general3A_348 = tpu.matmul %convert_element_type3A_345, %convert_element_type3A_346, %dot_general3A_347 {dimension_numbers = #tpu.dot_dimension_numbers<[1], [0], [0], [1], [0, 0, 1, 1], [], []>, transpose_lhs_hint = false} : vector<256x32xbf16>, vector<32x32xbf16>, vector<256x32xf32> -> vector<256x32xf32>
    %add3A_349 = vector.broadcast %get3A_34 : vector<1x32xf32> to vector<256x32xf32>
    %add3A_350 = arith.addf %dot_general3A_348, %add3A_349 : vector<256x32xf32>
    %get3A_351 = arith.constant 7 : index
    %get3A_352 = arith.constant 0 : index
    %get3A_353 = arith.constant 0 : index
    %get3A_354 = vector.load %arg3[%get3A_351, %get3A_352, %get3A_353] : memref<16x256x16xf32, #tpu.memory_space<vmem>>, vector<1x256x16xf32>
    %get3A_355 = vector.shape_cast %get3A_354 : vector<1x256x16xf32> to vector<256x16xf32>
    %sub3A_356 = arith.subf %get3A_355, %get3A_4 : vector<256x16xf32>
    %dot_general3A_357 = arith.constant dense<0.000000e+00> : vector<256x16xf32>
    %dot_general3A_358 = tpu.matmul %sub3A_356, %get3A_7, %dot_general3A_357 {dimension_numbers = #tpu.dot_dimension_numbers<[1], [0], [0], [1], [0, 0, 1, 1], [], []>, transpose_lhs_hint = false} : vector<256x16xf32>, vector<16x16xf32>, vector<256x16xf32> -> vector<256x16xf32>
    %add3A_359 = vector.broadcast %get3A_10 : vector<1x16xf32> to vector<256x16xf32>
    %add3A_360 = arith.addf %dot_general3A_358, %add3A_359 : vector<256x16xf32>
    %max3A_361 = arith.constant 0.000000e+00 : f32
    %max3A_362 = vector.broadcast %max3A_361 : f32 to vector<256x16xf32>
    %max3A_363 = arith.maximumf %add3A_360, %max3A_362 : vector<256x16xf32>
    %dot_general3A_364 = arith.constant dense<0.000000e+00> : vector<256x256xf32>
    %dot_general3A_365 = tpu.matmul %max3A_363, %get3A_13, %dot_general3A_364 {dimension_numbers = #tpu.dot_dimension_numbers<[1], [0], [0], [1], [0, 0, 1, 1], [], []>, transpose_lhs_hint = false} : vector<256x16xf32>, vector<16x256xf32>, vector<256x256xf32> -> vector<256x256xf32>
    %add3A_366 = vector.broadcast %get3A_16 : vector<1x256xf32> to vector<256x256xf32>
    %add3A_367 = arith.addf %dot_general3A_365, %add3A_366 : vector<256x256xf32>
    %get3A_368 = arith.constant 7 : index
    %get3A_369 = arith.constant 0 : index
    %get3A_370 = arith.constant 0 : index
    %get3A_371 = vector.load %arg1[%get3A_368, %get3A_369, %get3A_370] : memref<16x256x256xf32, #tpu.memory_space<vmem>>, vector<1x256x256xf32>
    %get3A_372 = vector.shape_cast %get3A_371 : vector<1x256x256xf32> to vector<256x256xf32>
    %sub3A_373 = arith.subf %get3A_372, %get3A_1 : vector<256x256xf32>
    %add3A_374 = arith.addf %sub3A_373, %add3A_367 : vector<256x256xf32>
    %mul3A_375 = vector.broadcast %get3A_19 : vector<1x256xf32> to vector<256x256xf32>
    %mul3A_376 = arith.mulf %add3A_374, %mul3A_375 : vector<256x256xf32>
    %add3A_377 = vector.broadcast %get3A_22 : vector<1x256xf32> to vector<256x256xf32>
    %add3A_378 = arith.addf %mul3A_376, %add3A_377 : vector<256x256xf32>
    %max3A_379 = arith.constant 0.000000e+00 : f32
    %max3A_380 = vector.broadcast %max3A_379 : f32 to vector<256x256xf32>
    %max3A_381 = arith.maximumf %add3A_378, %max3A_380 : vector<256x256xf32>
    %convert_element_type3A_382 = arith.truncf %max3A_381 : vector<256x256xf32> to vector<256x256xbf16>
    %convert_element_type3A_383 = arith.truncf %get3A_25 : vector<256x32xf32> to vector<256x32xbf16>
    %dot_general3A_384 = arith.constant dense<0.000000e+00> : vector<256x32xf32>
    %dot_general3A_385 = tpu.matmul %convert_element_type3A_382, %convert_element_type3A_383, %dot_general3A_384 {dimension_numbers = #tpu.dot_dimension_numbers<[1], [0], [0], [1], [0, 0, 1, 1], [], []>, transpose_lhs_hint = false} : vector<256x256xbf16>, vector<256x32xbf16>, vector<256x32xf32> -> vector<256x32xf32>
    %add3A_386 = vector.broadcast %get3A_28 : vector<1x32xf32> to vector<256x32xf32>
    %add3A_387 = arith.addf %dot_general3A_385, %add3A_386 : vector<256x32xf32>
    %max3A_388 = arith.constant 0.000000e+00 : f32
    %max3A_389 = vector.broadcast %max3A_388 : f32 to vector<256x32xf32>
    %max3A_390 = arith.maximumf %add3A_387, %max3A_389 : vector<256x32xf32>
    %convert_element_type3A_391 = arith.truncf %max3A_390 : vector<256x32xf32> to vector<256x32xbf16>
    %convert_element_type3A_392 = arith.truncf %get3A_31 : vector<32x32xf32> to vector<32x32xbf16>
    %dot_general3A_393 = arith.constant dense<0.000000e+00> : vector<256x32xf32>
    %dot_general3A_394 = tpu.matmul %convert_element_type3A_391, %convert_element_type3A_392, %dot_general3A_393 {dimension_numbers = #tpu.dot_dimension_numbers<[1], [0], [0], [1], [0, 0, 1, 1], [], []>, transpose_lhs_hint = false} : vector<256x32xbf16>, vector<32x32xbf16>, vector<256x32xf32> -> vector<256x32xf32>
    %add3A_395 = vector.broadcast %get3A_34 : vector<1x32xf32> to vector<256x32xf32>
    %add3A_396 = arith.addf %dot_general3A_394, %add3A_395 : vector<256x32xf32>
    %get3A_397 = arith.constant 8 : index
    %get3A_398 = arith.constant 0 : index
    %get3A_399 = arith.constant 0 : index
    %get3A_400 = vector.load %arg3[%get3A_397, %get3A_398, %get3A_399] : memref<16x256x16xf32, #tpu.memory_space<vmem>>, vector<1x256x16xf32>
    %get3A_401 = vector.shape_cast %get3A_400 : vector<1x256x16xf32> to vector<256x16xf32>
    %sub3A_402 = arith.subf %get3A_401, %get3A_4 : vector<256x16xf32>
    %dot_general3A_403 = arith.constant dense<0.000000e+00> : vector<256x16xf32>
    %dot_general3A_404 = tpu.matmul %sub3A_402, %get3A_7, %dot_general3A_403 {dimension_numbers = #tpu.dot_dimension_numbers<[1], [0], [0], [1], [0, 0, 1, 1], [], []>, transpose_lhs_hint = false} : vector<256x16xf32>, vector<16x16xf32>, vector<256x16xf32> -> vector<256x16xf32>
    %add3A_405 = vector.broadcast %get3A_10 : vector<1x16xf32> to vector<256x16xf32>
    %add3A_406 = arith.addf %dot_general3A_404, %add3A_405 : vector<256x16xf32>
    %max3A_407 = arith.constant 0.000000e+00 : f32
    %max3A_408 = vector.broadcast %max3A_407 : f32 to vector<256x16xf32>
    %max3A_409 = arith.maximumf %add3A_406, %max3A_408 : vector<256x16xf32>
    %dot_general3A_410 = arith.constant dense<0.000000e+00> : vector<256x256xf32>
    %dot_general3A_411 = tpu.matmul %max3A_409, %get3A_13, %dot_general3A_410 {dimension_numbers = #tpu.dot_dimension_numbers<[1], [0], [0], [1], [0, 0, 1, 1], [], []>, transpose_lhs_hint = false} : vector<256x16xf32>, vector<16x256xf32>, vector<256x256xf32> -> vector<256x256xf32>
    %add3A_412 = vector.broadcast %get3A_16 : vector<1x256xf32> to vector<256x256xf32>
    %add3A_413 = arith.addf %dot_general3A_411, %add3A_412 : vector<256x256xf32>
    %get3A_414 = arith.constant 8 : index
    %get3A_415 = arith.constant 0 : index
    %get3A_416 = arith.constant 0 : index
    %get3A_417 = vector.load %arg1[%get3A_414, %get3A_415, %get3A_416] : memref<16x256x256xf32, #tpu.memory_space<vmem>>, vector<1x256x256xf32>
    %get3A_418 = vector.shape_cast %get3A_417 : vector<1x256x256xf32> to vector<256x256xf32>
    %sub3A_419 = arith.subf %get3A_418, %get3A_1 : vector<256x256xf32>
    %add3A_420 = arith.addf %sub3A_419, %add3A_413 : vector<256x256xf32>
    %mul3A_421 = vector.broadcast %get3A_19 : vector<1x256xf32> to vector<256x256xf32>
    %mul3A_422 = arith.mulf %add3A_420, %mul3A_421 : vector<256x256xf32>
    %add3A_423 = vector.broadcast %get3A_22 : vector<1x256xf32> to vector<256x256xf32>
    %add3A_424 = arith.addf %mul3A_422, %add3A_423 : vector<256x256xf32>
    %max3A_425 = arith.constant 0.000000e+00 : f32
    %max3A_426 = vector.broadcast %max3A_425 : f32 to vector<256x256xf32>
    %max3A_427 = arith.maximumf %add3A_424, %max3A_426 : vector<256x256xf32>
    %convert_element_type3A_428 = arith.truncf %max3A_427 : vector<256x256xf32> to vector<256x256xbf16>
    %convert_element_type3A_429 = arith.truncf %get3A_25 : vector<256x32xf32> to vector<256x32xbf16>
    %dot_general3A_430 = arith.constant dense<0.000000e+00> : vector<256x32xf32>
    %dot_general3A_431 = tpu.matmul %convert_element_type3A_428, %convert_element_type3A_429, %dot_general3A_430 {dimension_numbers = #tpu.dot_dimension_numbers<[1], [0], [0], [1], [0, 0, 1, 1], [], []>, transpose_lhs_hint = false} : vector<256x256xbf16>, vector<256x32xbf16>, vector<256x32xf32> -> vector<256x32xf32>
    %add3A_432 = vector.broadcast %get3A_28 : vector<1x32xf32> to vector<256x32xf32>
    %add3A_433 = arith.addf %dot_general3A_431, %add3A_432 : vector<256x32xf32>
    %max3A_434 = arith.constant 0.000000e+00 : f32
    %max3A_435 = vector.broadcast %max3A_434 : f32 to vector<256x32xf32>
    %max3A_436 = arith.maximumf %add3A_433, %max3A_435 : vector<256x32xf32>
    %convert_element_type3A_437 = arith.truncf %max3A_436 : vector<256x32xf32> to vector<256x32xbf16>
    %convert_element_type3A_438 = arith.truncf %get3A_31 : vector<32x32xf32> to vector<32x32xbf16>
    %dot_general3A_439 = arith.constant dense<0.000000e+00> : vector<256x32xf32>
    %dot_general3A_440 = tpu.matmul %convert_element_type3A_437, %convert_element_type3A_438, %dot_general3A_439 {dimension_numbers = #tpu.dot_dimension_numbers<[1], [0], [0], [1], [0, 0, 1, 1], [], []>, transpose_lhs_hint = false} : vector<256x32xbf16>, vector<32x32xbf16>, vector<256x32xf32> -> vector<256x32xf32>
    %add3A_441 = vector.broadcast %get3A_34 : vector<1x32xf32> to vector<256x32xf32>
    %add3A_442 = arith.addf %dot_general3A_440, %add3A_441 : vector<256x32xf32>
    %get3A_443 = arith.constant 9 : index
    %get3A_444 = arith.constant 0 : index
    %get3A_445 = arith.constant 0 : index
    %get3A_446 = vector.load %arg3[%get3A_443, %get3A_444, %get3A_445] : memref<16x256x16xf32, #tpu.memory_space<vmem>>, vector<1x256x16xf32>
    %get3A_447 = vector.shape_cast %get3A_446 : vector<1x256x16xf32> to vector<256x16xf32>
    %sub3A_448 = arith.subf %get3A_447, %get3A_4 : vector<256x16xf32>
    %dot_general3A_449 = arith.constant dense<0.000000e+00> : vector<256x16xf32>
    %dot_general3A_450 = tpu.matmul %sub3A_448, %get3A_7, %dot_general3A_449 {dimension_numbers = #tpu.dot_dimension_numbers<[1], [0], [0], [1], [0, 0, 1, 1], [], []>, transpose_lhs_hint = false} : vector<256x16xf32>, vector<16x16xf32>, vector<256x16xf32> -> vector<256x16xf32>
    %add3A_451 = vector.broadcast %get3A_10 : vector<1x16xf32> to vector<256x16xf32>
    %add3A_452 = arith.addf %dot_general3A_450, %add3A_451 : vector<256x16xf32>
    %max3A_453 = arith.constant 0.000000e+00 : f32
    %max3A_454 = vector.broadcast %max3A_453 : f32 to vector<256x16xf32>
    %max3A_455 = arith.maximumf %add3A_452, %max3A_454 : vector<256x16xf32>
    %dot_general3A_456 = arith.constant dense<0.000000e+00> : vector<256x256xf32>
    %dot_general3A_457 = tpu.matmul %max3A_455, %get3A_13, %dot_general3A_456 {dimension_numbers = #tpu.dot_dimension_numbers<[1], [0], [0], [1], [0, 0, 1, 1], [], []>, transpose_lhs_hint = false} : vector<256x16xf32>, vector<16x256xf32>, vector<256x256xf32> -> vector<256x256xf32>
    %add3A_458 = vector.broadcast %get3A_16 : vector<1x256xf32> to vector<256x256xf32>
    %add3A_459 = arith.addf %dot_general3A_457, %add3A_458 : vector<256x256xf32>
    %get3A_460 = arith.constant 9 : index
    %get3A_461 = arith.constant 0 : index
    %get3A_462 = arith.constant 0 : index
    %get3A_463 = vector.load %arg1[%get3A_460, %get3A_461, %get3A_462] : memref<16x256x256xf32, #tpu.memory_space<vmem>>, vector<1x256x256xf32>
    %get3A_464 = vector.shape_cast %get3A_463 : vector<1x256x256xf32> to vector<256x256xf32>
    %sub3A_465 = arith.subf %get3A_464, %get3A_1 : vector<256x256xf32>
    %add3A_466 = arith.addf %sub3A_465, %add3A_459 : vector<256x256xf32>
    %mul3A_467 = vector.broadcast %get3A_19 : vector<1x256xf32> to vector<256x256xf32>
    %mul3A_468 = arith.mulf %add3A_466, %mul3A_467 : vector<256x256xf32>
    %add3A_469 = vector.broadcast %get3A_22 : vector<1x256xf32> to vector<256x256xf32>
    %add3A_470 = arith.addf %mul3A_468, %add3A_469 : vector<256x256xf32>
    %max3A_471 = arith.constant 0.000000e+00 : f32
    %max3A_472 = vector.broadcast %max3A_471 : f32 to vector<256x256xf32>
    %max3A_473 = arith.maximumf %add3A_470, %max3A_472 : vector<256x256xf32>
    %convert_element_type3A_474 = arith.truncf %max3A_473 : vector<256x256xf32> to vector<256x256xbf16>
    %convert_element_type3A_475 = arith.truncf %get3A_25 : vector<256x32xf32> to vector<256x32xbf16>
    %dot_general3A_476 = arith.constant dense<0.000000e+00> : vector<256x32xf32>
    %dot_general3A_477 = tpu.matmul %convert_element_type3A_474, %convert_element_type3A_475, %dot_general3A_476 {dimension_numbers = #tpu.dot_dimension_numbers<[1], [0], [0], [1], [0, 0, 1, 1], [], []>, transpose_lhs_hint = false} : vector<256x256xbf16>, vector<256x32xbf16>, vector<256x32xf32> -> vector<256x32xf32>
    %add3A_478 = vector.broadcast %get3A_28 : vector<1x32xf32> to vector<256x32xf32>
    %add3A_479 = arith.addf %dot_general3A_477, %add3A_478 : vector<256x32xf32>
    %max3A_480 = arith.constant 0.000000e+00 : f32
    %max3A_481 = vector.broadcast %max3A_480 : f32 to vector<256x32xf32>
    %max3A_482 = arith.maximumf %add3A_479, %max3A_481 : vector<256x32xf32>
    %convert_element_type3A_483 = arith.truncf %max3A_482 : vector<256x32xf32> to vector<256x32xbf16>
    %convert_element_type3A_484 = arith.truncf %get3A_31 : vector<32x32xf32> to vector<32x32xbf16>
    %dot_general3A_485 = arith.constant dense<0.000000e+00> : vector<256x32xf32>
    %dot_general3A_486 = tpu.matmul %convert_element_type3A_483, %convert_element_type3A_484, %dot_general3A_485 {dimension_numbers = #tpu.dot_dimension_numbers<[1], [0], [0], [1], [0, 0, 1, 1], [], []>, transpose_lhs_hint = false} : vector<256x32xbf16>, vector<32x32xbf16>, vector<256x32xf32> -> vector<256x32xf32>
    %add3A_487 = vector.broadcast %get3A_34 : vector<1x32xf32> to vector<256x32xf32>
    %add3A_488 = arith.addf %dot_general3A_486, %add3A_487 : vector<256x32xf32>
    %get3A_489 = arith.constant 10 : index
    %get3A_490 = arith.constant 0 : index
    %get3A_491 = arith.constant 0 : index
    %get3A_492 = vector.load %arg3[%get3A_489, %get3A_490, %get3A_491] : memref<16x256x16xf32, #tpu.memory_space<vmem>>, vector<1x256x16xf32>
    %get3A_493 = vector.shape_cast %get3A_492 : vector<1x256x16xf32> to vector<256x16xf32>
    %sub3A_494 = arith.subf %get3A_493, %get3A_4 : vector<256x16xf32>
    %dot_general3A_495 = arith.constant dense<0.000000e+00> : vector<256x16xf32>
    %dot_general3A_496 = tpu.matmul %sub3A_494, %get3A_7, %dot_general3A_495 {dimension_numbers = #tpu.dot_dimension_numbers<[1], [0], [0], [1], [0, 0, 1, 1], [], []>, transpose_lhs_hint = false} : vector<256x16xf32>, vector<16x16xf32>, vector<256x16xf32> -> vector<256x16xf32>
    %add3A_497 = vector.broadcast %get3A_10 : vector<1x16xf32> to vector<256x16xf32>
    %add3A_498 = arith.addf %dot_general3A_496, %add3A_497 : vector<256x16xf32>
    %max3A_499 = arith.constant 0.000000e+00 : f32
    %max3A_500 = vector.broadcast %max3A_499 : f32 to vector<256x16xf32>
    %max3A_501 = arith.maximumf %add3A_498, %max3A_500 : vector<256x16xf32>
    %dot_general3A_502 = arith.constant dense<0.000000e+00> : vector<256x256xf32>
    %dot_general3A_503 = tpu.matmul %max3A_501, %get3A_13, %dot_general3A_502 {dimension_numbers = #tpu.dot_dimension_numbers<[1], [0], [0], [1], [0, 0, 1, 1], [], []>, transpose_lhs_hint = false} : vector<256x16xf32>, vector<16x256xf32>, vector<256x256xf32> -> vector<256x256xf32>
    %add3A_504 = vector.broadcast %get3A_16 : vector<1x256xf32> to vector<256x256xf32>
    %add3A_505 = arith.addf %dot_general3A_503, %add3A_504 : vector<256x256xf32>
    %get3A_506 = arith.constant 10 : index
    %get3A_507 = arith.constant 0 : index
    %get3A_508 = arith.constant 0 : index
    %get3A_509 = vector.load %arg1[%get3A_506, %get3A_507, %get3A_508] : memref<16x256x256xf32, #tpu.memory_space<vmem>>, vector<1x256x256xf32>
    %get3A_510 = vector.shape_cast %get3A_509 : vector<1x256x256xf32> to vector<256x256xf32>
    %sub3A_511 = arith.subf %get3A_510, %get3A_1 : vector<256x256xf32>
    %add3A_512 = arith.addf %sub3A_511, %add3A_505 : vector<256x256xf32>
    %mul3A_513 = vector.broadcast %get3A_19 : vector<1x256xf32> to vector<256x256xf32>
    %mul3A_514 = arith.mulf %add3A_512, %mul3A_513 : vector<256x256xf32>
    %add3A_515 = vector.broadcast %get3A_22 : vector<1x256xf32> to vector<256x256xf32>
    %add3A_516 = arith.addf %mul3A_514, %add3A_515 : vector<256x256xf32>
    %max3A_517 = arith.constant 0.000000e+00 : f32
    %max3A_518 = vector.broadcast %max3A_517 : f32 to vector<256x256xf32>
    %max3A_519 = arith.maximumf %add3A_516, %max3A_518 : vector<256x256xf32>
    %convert_element_type3A_520 = arith.truncf %max3A_519 : vector<256x256xf32> to vector<256x256xbf16>
    %convert_element_type3A_521 = arith.truncf %get3A_25 : vector<256x32xf32> to vector<256x32xbf16>
    %dot_general3A_522 = arith.constant dense<0.000000e+00> : vector<256x32xf32>
    %dot_general3A_523 = tpu.matmul %convert_element_type3A_520, %convert_element_type3A_521, %dot_general3A_522 {dimension_numbers = #tpu.dot_dimension_numbers<[1], [0], [0], [1], [0, 0, 1, 1], [], []>, transpose_lhs_hint = false} : vector<256x256xbf16>, vector<256x32xbf16>, vector<256x32xf32> -> vector<256x32xf32>
    %add3A_524 = vector.broadcast %get3A_28 : vector<1x32xf32> to vector<256x32xf32>
    %add3A_525 = arith.addf %dot_general3A_523, %add3A_524 : vector<256x32xf32>
    %max3A_526 = arith.constant 0.000000e+00 : f32
    %max3A_527 = vector.broadcast %max3A_526 : f32 to vector<256x32xf32>
    %max3A_528 = arith.maximumf %add3A_525, %max3A_527 : vector<256x32xf32>
    %convert_element_type3A_529 = arith.truncf %max3A_528 : vector<256x32xf32> to vector<256x32xbf16>
    %convert_element_type3A_530 = arith.truncf %get3A_31 : vector<32x32xf32> to vector<32x32xbf16>
    %dot_general3A_531 = arith.constant dense<0.000000e+00> : vector<256x32xf32>
    %dot_general3A_532 = tpu.matmul %convert_element_type3A_529, %convert_element_type3A_530, %dot_general3A_531 {dimension_numbers = #tpu.dot_dimension_numbers<[1], [0], [0], [1], [0, 0, 1, 1], [], []>, transpose_lhs_hint = false} : vector<256x32xbf16>, vector<32x32xbf16>, vector<256x32xf32> -> vector<256x32xf32>
    %add3A_533 = vector.broadcast %get3A_34 : vector<1x32xf32> to vector<256x32xf32>
    %add3A_534 = arith.addf %dot_general3A_532, %add3A_533 : vector<256x32xf32>
    %get3A_535 = arith.constant 11 : index
    %get3A_536 = arith.constant 0 : index
    %get3A_537 = arith.constant 0 : index
    %get3A_538 = vector.load %arg3[%get3A_535, %get3A_536, %get3A_537] : memref<16x256x16xf32, #tpu.memory_space<vmem>>, vector<1x256x16xf32>
    %get3A_539 = vector.shape_cast %get3A_538 : vector<1x256x16xf32> to vector<256x16xf32>
    %sub3A_540 = arith.subf %get3A_539, %get3A_4 : vector<256x16xf32>
    %dot_general3A_541 = arith.constant dense<0.000000e+00> : vector<256x16xf32>
    %dot_general3A_542 = tpu.matmul %sub3A_540, %get3A_7, %dot_general3A_541 {dimension_numbers = #tpu.dot_dimension_numbers<[1], [0], [0], [1], [0, 0, 1, 1], [], []>, transpose_lhs_hint = false} : vector<256x16xf32>, vector<16x16xf32>, vector<256x16xf32> -> vector<256x16xf32>
    %add3A_543 = vector.broadcast %get3A_10 : vector<1x16xf32> to vector<256x16xf32>
    %add3A_544 = arith.addf %dot_general3A_542, %add3A_543 : vector<256x16xf32>
    %max3A_545 = arith.constant 0.000000e+00 : f32
    %max3A_546 = vector.broadcast %max3A_545 : f32 to vector<256x16xf32>
    %max3A_547 = arith.maximumf %add3A_544, %max3A_546 : vector<256x16xf32>
    %dot_general3A_548 = arith.constant dense<0.000000e+00> : vector<256x256xf32>
    %dot_general3A_549 = tpu.matmul %max3A_547, %get3A_13, %dot_general3A_548 {dimension_numbers = #tpu.dot_dimension_numbers<[1], [0], [0], [1], [0, 0, 1, 1], [], []>, transpose_lhs_hint = false} : vector<256x16xf32>, vector<16x256xf32>, vector<256x256xf32> -> vector<256x256xf32>
    %add3A_550 = vector.broadcast %get3A_16 : vector<1x256xf32> to vector<256x256xf32>
    %add3A_551 = arith.addf %dot_general3A_549, %add3A_550 : vector<256x256xf32>
    %get3A_552 = arith.constant 11 : index
    %get3A_553 = arith.constant 0 : index
    %get3A_554 = arith.constant 0 : index
    %get3A_555 = vector.load %arg1[%get3A_552, %get3A_553, %get3A_554] : memref<16x256x256xf32, #tpu.memory_space<vmem>>, vector<1x256x256xf32>
    %get3A_556 = vector.shape_cast %get3A_555 : vector<1x256x256xf32> to vector<256x256xf32>
    %sub3A_557 = arith.subf %get3A_556, %get3A_1 : vector<256x256xf32>
    %add3A_558 = arith.addf %sub3A_557, %add3A_551 : vector<256x256xf32>
    %mul3A_559 = vector.broadcast %get3A_19 : vector<1x256xf32> to vector<256x256xf32>
    %mul3A_560 = arith.mulf %add3A_558, %mul3A_559 : vector<256x256xf32>
    %add3A_561 = vector.broadcast %get3A_22 : vector<1x256xf32> to vector<256x256xf32>
    %add3A_562 = arith.addf %mul3A_560, %add3A_561 : vector<256x256xf32>
    %max3A_563 = arith.constant 0.000000e+00 : f32
    %max3A_564 = vector.broadcast %max3A_563 : f32 to vector<256x256xf32>
    %max3A_565 = arith.maximumf %add3A_562, %max3A_564 : vector<256x256xf32>
    %convert_element_type3A_566 = arith.truncf %max3A_565 : vector<256x256xf32> to vector<256x256xbf16>
    %convert_element_type3A_567 = arith.truncf %get3A_25 : vector<256x32xf32> to vector<256x32xbf16>
    %dot_general3A_568 = arith.constant dense<0.000000e+00> : vector<256x32xf32>
    %dot_general3A_569 = tpu.matmul %convert_element_type3A_566, %convert_element_type3A_567, %dot_general3A_568 {dimension_numbers = #tpu.dot_dimension_numbers<[1], [0], [0], [1], [0, 0, 1, 1], [], []>, transpose_lhs_hint = false} : vector<256x256xbf16>, vector<256x32xbf16>, vector<256x32xf32> -> vector<256x32xf32>
    %add3A_570 = vector.broadcast %get3A_28 : vector<1x32xf32> to vector<256x32xf32>
    %add3A_571 = arith.addf %dot_general3A_569, %add3A_570 : vector<256x32xf32>
    %max3A_572 = arith.constant 0.000000e+00 : f32
    %max3A_573 = vector.broadcast %max3A_572 : f32 to vector<256x32xf32>
    %max3A_574 = arith.maximumf %add3A_571, %max3A_573 : vector<256x32xf32>
    %convert_element_type3A_575 = arith.truncf %max3A_574 : vector<256x32xf32> to vector<256x32xbf16>
    %convert_element_type3A_576 = arith.truncf %get3A_31 : vector<32x32xf32> to vector<32x32xbf16>
    %dot_general3A_577 = arith.constant dense<0.000000e+00> : vector<256x32xf32>
    %dot_general3A_578 = tpu.matmul %convert_element_type3A_575, %convert_element_type3A_576, %dot_general3A_577 {dimension_numbers = #tpu.dot_dimension_numbers<[1], [0], [0], [1], [0, 0, 1, 1], [], []>, transpose_lhs_hint = false} : vector<256x32xbf16>, vector<32x32xbf16>, vector<256x32xf32> -> vector<256x32xf32>
    %add3A_579 = vector.broadcast %get3A_34 : vector<1x32xf32> to vector<256x32xf32>
    %add3A_580 = arith.addf %dot_general3A_578, %add3A_579 : vector<256x32xf32>
    %get3A_581 = arith.constant 12 : index
    %get3A_582 = arith.constant 0 : index
    %get3A_583 = arith.constant 0 : index
    %get3A_584 = vector.load %arg3[%get3A_581, %get3A_582, %get3A_583] : memref<16x256x16xf32, #tpu.memory_space<vmem>>, vector<1x256x16xf32>
    %get3A_585 = vector.shape_cast %get3A_584 : vector<1x256x16xf32> to vector<256x16xf32>
    %sub3A_586 = arith.subf %get3A_585, %get3A_4 : vector<256x16xf32>
    %dot_general3A_587 = arith.constant dense<0.000000e+00> : vector<256x16xf32>
    %dot_general3A_588 = tpu.matmul %sub3A_586, %get3A_7, %dot_general3A_587 {dimension_numbers = #tpu.dot_dimension_numbers<[1], [0], [0], [1], [0, 0, 1, 1], [], []>, transpose_lhs_hint = false} : vector<256x16xf32>, vector<16x16xf32>, vector<256x16xf32> -> vector<256x16xf32>
    %add3A_589 = vector.broadcast %get3A_10 : vector<1x16xf32> to vector<256x16xf32>
    %add3A_590 = arith.addf %dot_general3A_588, %add3A_589 : vector<256x16xf32>
    %max3A_591 = arith.constant 0.000000e+00 : f32
    %max3A_592 = vector.broadcast %max3A_591 : f32 to vector<256x16xf32>
    %max3A_593 = arith.maximumf %add3A_590, %max3A_592 : vector<256x16xf32>
    %dot_general3A_594 = arith.constant dense<0.000000e+00> : vector<256x256xf32>
    %dot_general3A_595 = tpu.matmul %max3A_593, %get3A_13, %dot_general3A_594 {dimension_numbers = #tpu.dot_dimension_numbers<[1], [0], [0], [1], [0, 0, 1, 1], [], []>, transpose_lhs_hint = false} : vector<256x16xf32>, vector<16x256xf32>, vector<256x256xf32> -> vector<256x256xf32>
    %add3A_596 = vector.broadcast %get3A_16 : vector<1x256xf32> to vector<256x256xf32>
    %add3A_597 = arith.addf %dot_general3A_595, %add3A_596 : vector<256x256xf32>
    %get3A_598 = arith.constant 12 : index
    %get3A_599 = arith.constant 0 : index
    %get3A_600 = arith.constant 0 : index
    %get3A_601 = vector.load %arg1[%get3A_598, %get3A_599, %get3A_600] : memref<16x256x256xf32, #tpu.memory_space<vmem>>, vector<1x256x256xf32>
    %get3A_602 = vector.shape_cast %get3A_601 : vector<1x256x256xf32> to vector<256x256xf32>
    %sub3A_603 = arith.subf %get3A_602, %get3A_1 : vector<256x256xf32>
    %add3A_604 = arith.addf %sub3A_603, %add3A_597 : vector<256x256xf32>
    %mul3A_605 = vector.broadcast %get3A_19 : vector<1x256xf32> to vector<256x256xf32>
    %mul3A_606 = arith.mulf %add3A_604, %mul3A_605 : vector<256x256xf32>
    %add3A_607 = vector.broadcast %get3A_22 : vector<1x256xf32> to vector<256x256xf32>
    %add3A_608 = arith.addf %mul3A_606, %add3A_607 : vector<256x256xf32>
    %max3A_609 = arith.constant 0.000000e+00 : f32
    %max3A_610 = vector.broadcast %max3A_609 : f32 to vector<256x256xf32>
    %max3A_611 = arith.maximumf %add3A_608, %max3A_610 : vector<256x256xf32>
    %convert_element_type3A_612 = arith.truncf %max3A_611 : vector<256x256xf32> to vector<256x256xbf16>
    %convert_element_type3A_613 = arith.truncf %get3A_25 : vector<256x32xf32> to vector<256x32xbf16>
    %dot_general3A_614 = arith.constant dense<0.000000e+00> : vector<256x32xf32>
    %dot_general3A_615 = tpu.matmul %convert_element_type3A_612, %convert_element_type3A_613, %dot_general3A_614 {dimension_numbers = #tpu.dot_dimension_numbers<[1], [0], [0], [1], [0, 0, 1, 1], [], []>, transpose_lhs_hint = false} : vector<256x256xbf16>, vector<256x32xbf16>, vector<256x32xf32> -> vector<256x32xf32>
    %add3A_616 = vector.broadcast %get3A_28 : vector<1x32xf32> to vector<256x32xf32>
    %add3A_617 = arith.addf %dot_general3A_615, %add3A_616 : vector<256x32xf32>
    %max3A_618 = arith.constant 0.000000e+00 : f32
    %max3A_619 = vector.broadcast %max3A_618 : f32 to vector<256x32xf32>
    %max3A_620 = arith.maximumf %add3A_617, %max3A_619 : vector<256x32xf32>
    %convert_element_type3A_621 = arith.truncf %max3A_620 : vector<256x32xf32> to vector<256x32xbf16>
    %convert_element_type3A_622 = arith.truncf %get3A_31 : vector<32x32xf32> to vector<32x32xbf16>
    %dot_general3A_623 = arith.constant dense<0.000000e+00> : vector<256x32xf32>
    %dot_general3A_624 = tpu.matmul %convert_element_type3A_621, %convert_element_type3A_622, %dot_general3A_623 {dimension_numbers = #tpu.dot_dimension_numbers<[1], [0], [0], [1], [0, 0, 1, 1], [], []>, transpose_lhs_hint = false} : vector<256x32xbf16>, vector<32x32xbf16>, vector<256x32xf32> -> vector<256x32xf32>
    %add3A_625 = vector.broadcast %get3A_34 : vector<1x32xf32> to vector<256x32xf32>
    %add3A_626 = arith.addf %dot_general3A_624, %add3A_625 : vector<256x32xf32>
    %get3A_627 = arith.constant 13 : index
    %get3A_628 = arith.constant 0 : index
    %get3A_629 = arith.constant 0 : index
    %get3A_630 = vector.load %arg3[%get3A_627, %get3A_628, %get3A_629] : memref<16x256x16xf32, #tpu.memory_space<vmem>>, vector<1x256x16xf32>
    %get3A_631 = vector.shape_cast %get3A_630 : vector<1x256x16xf32> to vector<256x16xf32>
    %sub3A_632 = arith.subf %get3A_631, %get3A_4 : vector<256x16xf32>
    %dot_general3A_633 = arith.constant dense<0.000000e+00> : vector<256x16xf32>
    %dot_general3A_634 = tpu.matmul %sub3A_632, %get3A_7, %dot_general3A_633 {dimension_numbers = #tpu.dot_dimension_numbers<[1], [0], [0], [1], [0, 0, 1, 1], [], []>, transpose_lhs_hint = false} : vector<256x16xf32>, vector<16x16xf32>, vector<256x16xf32> -> vector<256x16xf32>
    %add3A_635 = vector.broadcast %get3A_10 : vector<1x16xf32> to vector<256x16xf32>
    %add3A_636 = arith.addf %dot_general3A_634, %add3A_635 : vector<256x16xf32>
    %max3A_637 = arith.constant 0.000000e+00 : f32
    %max3A_638 = vector.broadcast %max3A_637 : f32 to vector<256x16xf32>
    %max3A_639 = arith.maximumf %add3A_636, %max3A_638 : vector<256x16xf32>
    %dot_general3A_640 = arith.constant dense<0.000000e+00> : vector<256x256xf32>
    %dot_general3A_641 = tpu.matmul %max3A_639, %get3A_13, %dot_general3A_640 {dimension_numbers = #tpu.dot_dimension_numbers<[1], [0], [0], [1], [0, 0, 1, 1], [], []>, transpose_lhs_hint = false} : vector<256x16xf32>, vector<16x256xf32>, vector<256x256xf32> -> vector<256x256xf32>
    %add3A_642 = vector.broadcast %get3A_16 : vector<1x256xf32> to vector<256x256xf32>
    %add3A_643 = arith.addf %dot_general3A_641, %add3A_642 : vector<256x256xf32>
    %get3A_644 = arith.constant 13 : index
    %get3A_645 = arith.constant 0 : index
    %get3A_646 = arith.constant 0 : index
    %get3A_647 = vector.load %arg1[%get3A_644, %get3A_645, %get3A_646] : memref<16x256x256xf32, #tpu.memory_space<vmem>>, vector<1x256x256xf32>
    %get3A_648 = vector.shape_cast %get3A_647 : vector<1x256x256xf32> to vector<256x256xf32>
    %sub3A_649 = arith.subf %get3A_648, %get3A_1 : vector<256x256xf32>
    %add3A_650 = arith.addf %sub3A_649, %add3A_643 : vector<256x256xf32>
    %mul3A_651 = vector.broadcast %get3A_19 : vector<1x256xf32> to vector<256x256xf32>
    %mul3A_652 = arith.mulf %add3A_650, %mul3A_651 : vector<256x256xf32>
    %add3A_653 = vector.broadcast %get3A_22 : vector<1x256xf32> to vector<256x256xf32>
    %add3A_654 = arith.addf %mul3A_652, %add3A_653 : vector<256x256xf32>
    %max3A_655 = arith.constant 0.000000e+00 : f32
    %max3A_656 = vector.broadcast %max3A_655 : f32 to vector<256x256xf32>
    %max3A_657 = arith.maximumf %add3A_654, %max3A_656 : vector<256x256xf32>
    %convert_element_type3A_658 = arith.truncf %max3A_657 : vector<256x256xf32> to vector<256x256xbf16>
    %convert_element_type3A_659 = arith.truncf %get3A_25 : vector<256x32xf32> to vector<256x32xbf16>
    %dot_general3A_660 = arith.constant dense<0.000000e+00> : vector<256x32xf32>
    %dot_general3A_661 = tpu.matmul %convert_element_type3A_658, %convert_element_type3A_659, %dot_general3A_660 {dimension_numbers = #tpu.dot_dimension_numbers<[1], [0], [0], [1], [0, 0, 1, 1], [], []>, transpose_lhs_hint = false} : vector<256x256xbf16>, vector<256x32xbf16>, vector<256x32xf32> -> vector<256x32xf32>
    %add3A_662 = vector.broadcast %get3A_28 : vector<1x32xf32> to vector<256x32xf32>
    %add3A_663 = arith.addf %dot_general3A_661, %add3A_662 : vector<256x32xf32>
    %max3A_664 = arith.constant 0.000000e+00 : f32
    %max3A_665 = vector.broadcast %max3A_664 : f32 to vector<256x32xf32>
    %max3A_666 = arith.maximumf %add3A_663, %max3A_665 : vector<256x32xf32>
    %convert_element_type3A_667 = arith.truncf %max3A_666 : vector<256x32xf32> to vector<256x32xbf16>
    %convert_element_type3A_668 = arith.truncf %get3A_31 : vector<32x32xf32> to vector<32x32xbf16>
    %dot_general3A_669 = arith.constant dense<0.000000e+00> : vector<256x32xf32>
    %dot_general3A_670 = tpu.matmul %convert_element_type3A_667, %convert_element_type3A_668, %dot_general3A_669 {dimension_numbers = #tpu.dot_dimension_numbers<[1], [0], [0], [1], [0, 0, 1, 1], [], []>, transpose_lhs_hint = false} : vector<256x32xbf16>, vector<32x32xbf16>, vector<256x32xf32> -> vector<256x32xf32>
    %add3A_671 = vector.broadcast %get3A_34 : vector<1x32xf32> to vector<256x32xf32>
    %add3A_672 = arith.addf %dot_general3A_670, %add3A_671 : vector<256x32xf32>
    %get3A_673 = arith.constant 14 : index
    %get3A_674 = arith.constant 0 : index
    %get3A_675 = arith.constant 0 : index
    %get3A_676 = vector.load %arg3[%get3A_673, %get3A_674, %get3A_675] : memref<16x256x16xf32, #tpu.memory_space<vmem>>, vector<1x256x16xf32>
    %get3A_677 = vector.shape_cast %get3A_676 : vector<1x256x16xf32> to vector<256x16xf32>
    %sub3A_678 = arith.subf %get3A_677, %get3A_4 : vector<256x16xf32>
    %dot_general3A_679 = arith.constant dense<0.000000e+00> : vector<256x16xf32>
    %dot_general3A_680 = tpu.matmul %sub3A_678, %get3A_7, %dot_general3A_679 {dimension_numbers = #tpu.dot_dimension_numbers<[1], [0], [0], [1], [0, 0, 1, 1], [], []>, transpose_lhs_hint = false} : vector<256x16xf32>, vector<16x16xf32>, vector<256x16xf32> -> vector<256x16xf32>
    %add3A_681 = vector.broadcast %get3A_10 : vector<1x16xf32> to vector<256x16xf32>
    %add3A_682 = arith.addf %dot_general3A_680, %add3A_681 : vector<256x16xf32>
    %max3A_683 = arith.constant 0.000000e+00 : f32
    %max3A_684 = vector.broadcast %max3A_683 : f32 to vector<256x16xf32>
    %max3A_685 = arith.maximumf %add3A_682, %max3A_684 : vector<256x16xf32>
    %dot_general3A_686 = arith.constant dense<0.000000e+00> : vector<256x256xf32>
    %dot_general3A_687 = tpu.matmul %max3A_685, %get3A_13, %dot_general3A_686 {dimension_numbers = #tpu.dot_dimension_numbers<[1], [0], [0], [1], [0, 0, 1, 1], [], []>, transpose_lhs_hint = false} : vector<256x16xf32>, vector<16x256xf32>, vector<256x256xf32> -> vector<256x256xf32>
    %add3A_688 = vector.broadcast %get3A_16 : vector<1x256xf32> to vector<256x256xf32>
    %add3A_689 = arith.addf %dot_general3A_687, %add3A_688 : vector<256x256xf32>
    %get3A_690 = arith.constant 14 : index
    %get3A_691 = arith.constant 0 : index
    %get3A_692 = arith.constant 0 : index
    %get3A_693 = vector.load %arg1[%get3A_690, %get3A_691, %get3A_692] : memref<16x256x256xf32, #tpu.memory_space<vmem>>, vector<1x256x256xf32>
    %get3A_694 = vector.shape_cast %get3A_693 : vector<1x256x256xf32> to vector<256x256xf32>
    %sub3A_695 = arith.subf %get3A_694, %get3A_1 : vector<256x256xf32>
    %add3A_696 = arith.addf %sub3A_695, %add3A_689 : vector<256x256xf32>
    %mul3A_697 = vector.broadcast %get3A_19 : vector<1x256xf32> to vector<256x256xf32>
    %mul3A_698 = arith.mulf %add3A_696, %mul3A_697 : vector<256x256xf32>
    %add3A_699 = vector.broadcast %get3A_22 : vector<1x256xf32> to vector<256x256xf32>
    %add3A_700 = arith.addf %mul3A_698, %add3A_699 : vector<256x256xf32>
    %max3A_701 = arith.constant 0.000000e+00 : f32
    %max3A_702 = vector.broadcast %max3A_701 : f32 to vector<256x256xf32>
    %max3A_703 = arith.maximumf %add3A_700, %max3A_702 : vector<256x256xf32>
    %convert_element_type3A_704 = arith.truncf %max3A_703 : vector<256x256xf32> to vector<256x256xbf16>
    %convert_element_type3A_705 = arith.truncf %get3A_25 : vector<256x32xf32> to vector<256x32xbf16>
    %dot_general3A_706 = arith.constant dense<0.000000e+00> : vector<256x32xf32>
    %dot_general3A_707 = tpu.matmul %convert_element_type3A_704, %convert_element_type3A_705, %dot_general3A_706 {dimension_numbers = #tpu.dot_dimension_numbers<[1], [0], [0], [1], [0, 0, 1, 1], [], []>, transpose_lhs_hint = false} : vector<256x256xbf16>, vector<256x32xbf16>, vector<256x32xf32> -> vector<256x32xf32>
    %add3A_708 = vector.broadcast %get3A_28 : vector<1x32xf32> to vector<256x32xf32>
    %add3A_709 = arith.addf %dot_general3A_707, %add3A_708 : vector<256x32xf32>
    %max3A_710 = arith.constant 0.000000e+00 : f32
    %max3A_711 = vector.broadcast %max3A_710 : f32 to vector<256x32xf32>
    %max3A_712 = arith.maximumf %add3A_709, %max3A_711 : vector<256x32xf32>
    %convert_element_type3A_713 = arith.truncf %max3A_712 : vector<256x32xf32> to vector<256x32xbf16>
    %convert_element_type3A_714 = arith.truncf %get3A_31 : vector<32x32xf32> to vector<32x32xbf16>
    %dot_general3A_715 = arith.constant dense<0.000000e+00> : vector<256x32xf32>
    %dot_general3A_716 = tpu.matmul %convert_element_type3A_713, %convert_element_type3A_714, %dot_general3A_715 {dimension_numbers = #tpu.dot_dimension_numbers<[1], [0], [0], [1], [0, 0, 1, 1], [], []>, transpose_lhs_hint = false} : vector<256x32xbf16>, vector<32x32xbf16>, vector<256x32xf32> -> vector<256x32xf32>
    %add3A_717 = vector.broadcast %get3A_34 : vector<1x32xf32> to vector<256x32xf32>
    %add3A_718 = arith.addf %dot_general3A_716, %add3A_717 : vector<256x32xf32>
    %get3A_719 = arith.constant 15 : index
    %get3A_720 = arith.constant 0 : index
    %get3A_721 = arith.constant 0 : index
    %get3A_722 = vector.load %arg3[%get3A_719, %get3A_720, %get3A_721] : memref<16x256x16xf32, #tpu.memory_space<vmem>>, vector<1x256x16xf32>
    %get3A_723 = vector.shape_cast %get3A_722 : vector<1x256x16xf32> to vector<256x16xf32>
    %sub3A_724 = arith.subf %get3A_723, %get3A_4 : vector<256x16xf32>
    %dot_general3A_725 = arith.constant dense<0.000000e+00> : vector<256x16xf32>
    %dot_general3A_726 = tpu.matmul %sub3A_724, %get3A_7, %dot_general3A_725 {dimension_numbers = #tpu.dot_dimension_numbers<[1], [0], [0], [1], [0, 0, 1, 1], [], []>, transpose_lhs_hint = false} : vector<256x16xf32>, vector<16x16xf32>, vector<256x16xf32> -> vector<256x16xf32>
    %add3A_727 = vector.broadcast %get3A_10 : vector<1x16xf32> to vector<256x16xf32>
    %add3A_728 = arith.addf %dot_general3A_726, %add3A_727 : vector<256x16xf32>
    %max3A_729 = arith.constant 0.000000e+00 : f32
    %max3A_730 = vector.broadcast %max3A_729 : f32 to vector<256x16xf32>
    %max3A_731 = arith.maximumf %add3A_728, %max3A_730 : vector<256x16xf32>
    %dot_general3A_732 = arith.constant dense<0.000000e+00> : vector<256x256xf32>
    %dot_general3A_733 = tpu.matmul %max3A_731, %get3A_13, %dot_general3A_732 {dimension_numbers = #tpu.dot_dimension_numbers<[1], [0], [0], [1], [0, 0, 1, 1], [], []>, transpose_lhs_hint = false} : vector<256x16xf32>, vector<16x256xf32>, vector<256x256xf32> -> vector<256x256xf32>
    %add3A_734 = vector.broadcast %get3A_16 : vector<1x256xf32> to vector<256x256xf32>
    %add3A_735 = arith.addf %dot_general3A_733, %add3A_734 : vector<256x256xf32>
    %get3A_736 = arith.constant 15 : index
    %get3A_737 = arith.constant 0 : index
    %get3A_738 = arith.constant 0 : index
    %get3A_739 = vector.load %arg1[%get3A_736, %get3A_737, %get3A_738] : memref<16x256x256xf32, #tpu.memory_space<vmem>>, vector<1x256x256xf32>
    %get3A_740 = vector.shape_cast %get3A_739 : vector<1x256x256xf32> to vector<256x256xf32>
    %sub3A_741 = arith.subf %get3A_740, %get3A_1 : vector<256x256xf32>
    %add3A_742 = arith.addf %sub3A_741, %add3A_735 : vector<256x256xf32>
    %mul3A_743 = vector.broadcast %get3A_19 : vector<1x256xf32> to vector<256x256xf32>
    %mul3A_744 = arith.mulf %add3A_742, %mul3A_743 : vector<256x256xf32>
    %add3A_745 = vector.broadcast %get3A_22 : vector<1x256xf32> to vector<256x256xf32>
    %add3A_746 = arith.addf %mul3A_744, %add3A_745 : vector<256x256xf32>
    %max3A_747 = arith.constant 0.000000e+00 : f32
    %max3A_748 = vector.broadcast %max3A_747 : f32 to vector<256x256xf32>
    %max3A_749 = arith.maximumf %add3A_746, %max3A_748 : vector<256x256xf32>
    %convert_element_type3A_750 = arith.truncf %max3A_749 : vector<256x256xf32> to vector<256x256xbf16>
    %convert_element_type3A_751 = arith.truncf %get3A_25 : vector<256x32xf32> to vector<256x32xbf16>
    %dot_general3A_752 = arith.constant dense<0.000000e+00> : vector<256x32xf32>
    %dot_general3A_753 = tpu.matmul %convert_element_type3A_750, %convert_element_type3A_751, %dot_general3A_752 {dimension_numbers = #tpu.dot_dimension_numbers<[1], [0], [0], [1], [0, 0, 1, 1], [], []>, transpose_lhs_hint = false} : vector<256x256xbf16>, vector<256x32xbf16>, vector<256x32xf32> -> vector<256x32xf32>
    %add3A_754 = vector.broadcast %get3A_28 : vector<1x32xf32> to vector<256x32xf32>
    %add3A_755 = arith.addf %dot_general3A_753, %add3A_754 : vector<256x32xf32>
    %max3A_756 = arith.constant 0.000000e+00 : f32
    %max3A_757 = vector.broadcast %max3A_756 : f32 to vector<256x32xf32>
    %max3A_758 = arith.maximumf %add3A_755, %max3A_757 : vector<256x32xf32>
    %convert_element_type3A_759 = arith.truncf %max3A_758 : vector<256x32xf32> to vector<256x32xbf16>
    %convert_element_type3A_760 = arith.truncf %get3A_31 : vector<32x32xf32> to vector<32x32xbf16>
    %dot_general3A_761 = arith.constant dense<0.000000e+00> : vector<256x32xf32>
    %dot_general3A_762 = tpu.matmul %convert_element_type3A_759, %convert_element_type3A_760, %dot_general3A_761 {dimension_numbers = #tpu.dot_dimension_numbers<[1], [0], [0], [1], [0, 0, 1, 1], [], []>, transpose_lhs_hint = false} : vector<256x32xbf16>, vector<32x32xbf16>, vector<256x32xf32> -> vector<256x32xf32>
    %add3A_763 = vector.broadcast %get3A_34 : vector<1x32xf32> to vector<256x32xf32>
    %add3A_764 = arith.addf %dot_general3A_762, %add3A_763 : vector<256x32xf32>
    %max3A_765 = arith.maximumf %add3A_74, %add3A_120 : vector<256x32xf32>
    %max3A_766 = arith.maximumf %max3A_765, %add3A_166 : vector<256x32xf32>
    %max3A_767 = arith.maximumf %max3A_766, %add3A_212 : vector<256x32xf32>
    %max3A_768 = arith.maximumf %max3A_767, %add3A_258 : vector<256x32xf32>
    %max3A_769 = arith.maximumf %max3A_768, %add3A_304 : vector<256x32xf32>
    %max3A_770 = arith.maximumf %max3A_769, %add3A_350 : vector<256x32xf32>
    %max3A_771 = arith.maximumf %max3A_770, %add3A_396 : vector<256x32xf32>
    %max3A_772 = arith.maximumf %max3A_771, %add3A_442 : vector<256x32xf32>
    %max3A_773 = arith.maximumf %max3A_772, %add3A_488 : vector<256x32xf32>
    %max3A_774 = arith.maximumf %max3A_773, %add3A_534 : vector<256x32xf32>
    %max3A_775 = arith.maximumf %max3A_774, %add3A_580 : vector<256x32xf32>
    %max3A_776 = arith.maximumf %max3A_775, %add3A_626 : vector<256x32xf32>
    %max3A_777 = arith.maximumf %max3A_776, %add3A_672 : vector<256x32xf32>
    %max3A_778 = arith.maximumf %max3A_777, %add3A_718 : vector<256x32xf32>
    %max3A_779 = arith.maximumf %max3A_778, %add3A_764 : vector<256x32xf32>
    %sub3A_780 = arith.subf %add3A_74, %max3A_779 : vector<256x32xf32>
    %exp3A = math.exp %sub3A_780 : vector<256x32xf32>
    %sub3A_781 = arith.subf %add3A_120, %max3A_779 : vector<256x32xf32>
    %exp3A_782 = math.exp %sub3A_781 : vector<256x32xf32>
    %sub3A_783 = arith.subf %add3A_166, %max3A_779 : vector<256x32xf32>
    %exp3A_784 = math.exp %sub3A_783 : vector<256x32xf32>
    %sub3A_785 = arith.subf %add3A_212, %max3A_779 : vector<256x32xf32>
    %exp3A_786 = math.exp %sub3A_785 : vector<256x32xf32>
    %sub3A_787 = arith.subf %add3A_258, %max3A_779 : vector<256x32xf32>
    %exp3A_788 = math.exp %sub3A_787 : vector<256x32xf32>
    %sub3A_789 = arith.subf %add3A_304, %max3A_779 : vector<256x32xf32>
    %exp3A_790 = math.exp %sub3A_789 : vector<256x32xf32>
    %sub3A_791 = arith.subf %add3A_350, %max3A_779 : vector<256x32xf32>
    %exp3A_792 = math.exp %sub3A_791 : vector<256x32xf32>
    %sub3A_793 = arith.subf %add3A_396, %max3A_779 : vector<256x32xf32>
    %exp3A_794 = math.exp %sub3A_793 : vector<256x32xf32>
    %sub3A_795 = arith.subf %add3A_442, %max3A_779 : vector<256x32xf32>
    %exp3A_796 = math.exp %sub3A_795 : vector<256x32xf32>
    %sub3A_797 = arith.subf %add3A_488, %max3A_779 : vector<256x32xf32>
    %exp3A_798 = math.exp %sub3A_797 : vector<256x32xf32>
    %sub3A_799 = arith.subf %add3A_534, %max3A_779 : vector<256x32xf32>
    %exp3A_800 = math.exp %sub3A_799 : vector<256x32xf32>
    %sub3A_801 = arith.subf %add3A_580, %max3A_779 : vector<256x32xf32>
    %exp3A_802 = math.exp %sub3A_801 : vector<256x32xf32>
    %sub3A_803 = arith.subf %add3A_626, %max3A_779 : vector<256x32xf32>
    %exp3A_804 = math.exp %sub3A_803 : vector<256x32xf32>
    %sub3A_805 = arith.subf %add3A_672, %max3A_779 : vector<256x32xf32>
    %exp3A_806 = math.exp %sub3A_805 : vector<256x32xf32>
    %sub3A_807 = arith.subf %add3A_718, %max3A_779 : vector<256x32xf32>
    %exp3A_808 = math.exp %sub3A_807 : vector<256x32xf32>
    %sub3A_809 = arith.subf %add3A_764, %max3A_779 : vector<256x32xf32>
    %exp3A_810 = math.exp %sub3A_809 : vector<256x32xf32>
    %add3A_811 = arith.addf %exp3A, %exp3A_782 : vector<256x32xf32>
    %add3A_812 = arith.addf %add3A_811, %exp3A_784 : vector<256x32xf32>
    %add3A_813 = arith.addf %add3A_812, %exp3A_786 : vector<256x32xf32>
    %add3A_814 = arith.addf %add3A_813, %exp3A_788 : vector<256x32xf32>
    %add3A_815 = arith.addf %add3A_814, %exp3A_790 : vector<256x32xf32>
    %add3A_816 = arith.addf %add3A_815, %exp3A_792 : vector<256x32xf32>
    %add3A_817 = arith.addf %add3A_816, %exp3A_794 : vector<256x32xf32>
    %add3A_818 = arith.addf %add3A_817, %exp3A_796 : vector<256x32xf32>
    %add3A_819 = arith.addf %add3A_818, %exp3A_798 : vector<256x32xf32>
    %add3A_820 = arith.addf %add3A_819, %exp3A_800 : vector<256x32xf32>
    %add3A_821 = arith.addf %add3A_820, %exp3A_802 : vector<256x32xf32>
    %add3A_822 = arith.addf %add3A_821, %exp3A_804 : vector<256x32xf32>
    %add3A_823 = arith.addf %add3A_822, %exp3A_806 : vector<256x32xf32>
    %add3A_824 = arith.addf %add3A_823, %exp3A_808 : vector<256x32xf32>
    %add3A_825 = arith.addf %add3A_824, %exp3A_810 : vector<256x32xf32>
    %div3A = arith.divf %exp3A, %add3A_825 : vector<256x32xf32>
    %concatenate3A = tpu.concatenate %div3A, %div3A, %div3A, %div3A, %div3A, %div3A, %div3A, %div3A in 1 : vector<256x32xf32>, vector<256x32xf32>, vector<256x32xf32>, vector<256x32xf32>, vector<256x32xf32>, vector<256x32xf32>, vector<256x32xf32>, vector<256x32xf32> -> vector<256x256xf32>
    %get3A_826 = arith.constant 0 : index
    %get3A_827 = arith.constant 0 : index
    %get3A_828 = arith.constant 0 : index
    %get3A_829 = vector.load %arg2[%get3A_826, %get3A_827, %get3A_828] : memref<16x256x256xf32, #tpu.memory_space<vmem>>, vector<1x256x256xf32>
    %get3A_830 = vector.shape_cast %get3A_829 : vector<1x256x256xf32> to vector<256x256xf32>
    %add3A_831 = arith.addf %get3A_830, %add3A_47 : vector<256x256xf32>
    %mul3A_832 = arith.mulf %add3A_831, %concatenate3A : vector<256x256xf32>
    %div3A_833 = arith.divf %exp3A_782, %add3A_825 : vector<256x32xf32>
    %concatenate3A_834 = tpu.concatenate %div3A_833, %div3A_833, %div3A_833, %div3A_833, %div3A_833, %div3A_833, %div3A_833, %div3A_833 in 1 : vector<256x32xf32>, vector<256x32xf32>, vector<256x32xf32>, vector<256x32xf32>, vector<256x32xf32>, vector<256x32xf32>, vector<256x32xf32>, vector<256x32xf32> -> vector<256x256xf32>
    %get3A_835 = arith.constant 1 : index
    %get3A_836 = arith.constant 0 : index
    %get3A_837 = arith.constant 0 : index
    %get3A_838 = vector.load %arg2[%get3A_835, %get3A_836, %get3A_837] : memref<16x256x256xf32, #tpu.memory_space<vmem>>, vector<1x256x256xf32>
    %get3A_839 = vector.shape_cast %get3A_838 : vector<1x256x256xf32> to vector<256x256xf32>
    %add3A_840 = arith.addf %get3A_839, %add3A_91 : vector<256x256xf32>
    %mul3A_841 = arith.mulf %add3A_840, %concatenate3A_834 : vector<256x256xf32>
    %add3A_842 = arith.addf %mul3A_832, %mul3A_841 : vector<256x256xf32>
    %div3A_843 = arith.divf %exp3A_784, %add3A_825 : vector<256x32xf32>
    %concatenate3A_844 = tpu.concatenate %div3A_843, %div3A_843, %div3A_843, %div3A_843, %div3A_843, %div3A_843, %div3A_843, %div3A_843 in 1 : vector<256x32xf32>, vector<256x32xf32>, vector<256x32xf32>, vector<256x32xf32>, vector<256x32xf32>, vector<256x32xf32>, vector<256x32xf32>, vector<256x32xf32> -> vector<256x256xf32>
    %get3A_845 = arith.constant 2 : index
    %get3A_846 = arith.constant 0 : index
    %get3A_847 = arith.constant 0 : index
    %get3A_848 = vector.load %arg2[%get3A_845, %get3A_846, %get3A_847] : memref<16x256x256xf32, #tpu.memory_space<vmem>>, vector<1x256x256xf32>
    %get3A_849 = vector.shape_cast %get3A_848 : vector<1x256x256xf32> to vector<256x256xf32>
    %add3A_850 = arith.addf %get3A_849, %add3A_137 : vector<256x256xf32>
    %mul3A_851 = arith.mulf %add3A_850, %concatenate3A_844 : vector<256x256xf32>
    %add3A_852 = arith.addf %add3A_842, %mul3A_851 : vector<256x256xf32>
    %div3A_853 = arith.divf %exp3A_786, %add3A_825 : vector<256x32xf32>
    %concatenate3A_854 = tpu.concatenate %div3A_853, %div3A_853, %div3A_853, %div3A_853, %div3A_853, %div3A_853, %div3A_853, %div3A_853 in 1 : vector<256x32xf32>, vector<256x32xf32>, vector<256x32xf32>, vector<256x32xf32>, vector<256x32xf32>, vector<256x32xf32>, vector<256x32xf32>, vector<256x32xf32> -> vector<256x256xf32>
    %get3A_855 = arith.constant 3 : index
    %get3A_856 = arith.constant 0 : index
    %get3A_857 = arith.constant 0 : index
    %get3A_858 = vector.load %arg2[%get3A_855, %get3A_856, %get3A_857] : memref<16x256x256xf32, #tpu.memory_space<vmem>>, vector<1x256x256xf32>
    %get3A_859 = vector.shape_cast %get3A_858 : vector<1x256x256xf32> to vector<256x256xf32>
    %add3A_860 = arith.addf %get3A_859, %add3A_183 : vector<256x256xf32>
    %mul3A_861 = arith.mulf %add3A_860, %concatenate3A_854 : vector<256x256xf32>
    %add3A_862 = arith.addf %add3A_852, %mul3A_861 : vector<256x256xf32>
    %div3A_863 = arith.divf %exp3A_788, %add3A_825 : vector<256x32xf32>
    %concatenate3A_864 = tpu.concatenate %div3A_863, %div3A_863, %div3A_863, %div3A_863, %div3A_863, %div3A_863, %div3A_863, %div3A_863 in 1 : vector<256x32xf32>, vector<256x32xf32>, vector<256x32xf32>, vector<256x32xf32>, vector<256x32xf32>, vector<256x32xf32>, vector<256x32xf32>, vector<256x32xf32> -> vector<256x256xf32>
    %get3A_865 = arith.constant 4 : index
    %get3A_866 = arith.constant 0 : index
    %get3A_867 = arith.constant 0 : index
    %get3A_868 = vector.load %arg2[%get3A_865, %get3A_866, %get3A_867] : memref<16x256x256xf32, #tpu.memory_space<vmem>>, vector<1x256x256xf32>
    %get3A_869 = vector.shape_cast %get3A_868 : vector<1x256x256xf32> to vector<256x256xf32>
    %add3A_870 = arith.addf %get3A_869, %add3A_229 : vector<256x256xf32>
    %mul3A_871 = arith.mulf %add3A_870, %concatenate3A_864 : vector<256x256xf32>
    %add3A_872 = arith.addf %add3A_862, %mul3A_871 : vector<256x256xf32>
    %div3A_873 = arith.divf %exp3A_790, %add3A_825 : vector<256x32xf32>
    %concatenate3A_874 = tpu.concatenate %div3A_873, %div3A_873, %div3A_873, %div3A_873, %div3A_873, %div3A_873, %div3A_873, %div3A_873 in 1 : vector<256x32xf32>, vector<256x32xf32>, vector<256x32xf32>, vector<256x32xf32>, vector<256x32xf32>, vector<256x32xf32>, vector<256x32xf32>, vector<256x32xf32> -> vector<256x256xf32>
    %get3A_875 = arith.constant 5 : index
    %get3A_876 = arith.constant 0 : index
    %get3A_877 = arith.constant 0 : index
    %get3A_878 = vector.load %arg2[%get3A_875, %get3A_876, %get3A_877] : memref<16x256x256xf32, #tpu.memory_space<vmem>>, vector<1x256x256xf32>
    %get3A_879 = vector.shape_cast %get3A_878 : vector<1x256x256xf32> to vector<256x256xf32>
    %add3A_880 = arith.addf %get3A_879, %add3A_275 : vector<256x256xf32>
    %mul3A_881 = arith.mulf %add3A_880, %concatenate3A_874 : vector<256x256xf32>
    %add3A_882 = arith.addf %add3A_872, %mul3A_881 : vector<256x256xf32>
    %div3A_883 = arith.divf %exp3A_792, %add3A_825 : vector<256x32xf32>
    %concatenate3A_884 = tpu.concatenate %div3A_883, %div3A_883, %div3A_883, %div3A_883, %div3A_883, %div3A_883, %div3A_883, %div3A_883 in 1 : vector<256x32xf32>, vector<256x32xf32>, vector<256x32xf32>, vector<256x32xf32>, vector<256x32xf32>, vector<256x32xf32>, vector<256x32xf32>, vector<256x32xf32> -> vector<256x256xf32>
    %get3A_885 = arith.constant 6 : index
    %get3A_886 = arith.constant 0 : index
    %get3A_887 = arith.constant 0 : index
    %get3A_888 = vector.load %arg2[%get3A_885, %get3A_886, %get3A_887] : memref<16x256x256xf32, #tpu.memory_space<vmem>>, vector<1x256x256xf32>
    %get3A_889 = vector.shape_cast %get3A_888 : vector<1x256x256xf32> to vector<256x256xf32>
    %add3A_890 = arith.addf %get3A_889, %add3A_321 : vector<256x256xf32>
    %mul3A_891 = arith.mulf %add3A_890, %concatenate3A_884 : vector<256x256xf32>
    %add3A_892 = arith.addf %add3A_882, %mul3A_891 : vector<256x256xf32>
    %div3A_893 = arith.divf %exp3A_794, %add3A_825 : vector<256x32xf32>
    %concatenate3A_894 = tpu.concatenate %div3A_893, %div3A_893, %div3A_893, %div3A_893, %div3A_893, %div3A_893, %div3A_893, %div3A_893 in 1 : vector<256x32xf32>, vector<256x32xf32>, vector<256x32xf32>, vector<256x32xf32>, vector<256x32xf32>, vector<256x32xf32>, vector<256x32xf32>, vector<256x32xf32> -> vector<256x256xf32>
    %get3A_895 = arith.constant 7 : index
    %get3A_896 = arith.constant 0 : index
    %get3A_897 = arith.constant 0 : index
    %get3A_898 = vector.load %arg2[%get3A_895, %get3A_896, %get3A_897] : memref<16x256x256xf32, #tpu.memory_space<vmem>>, vector<1x256x256xf32>
    %get3A_899 = vector.shape_cast %get3A_898 : vector<1x256x256xf32> to vector<256x256xf32>
    %add3A_900 = arith.addf %get3A_899, %add3A_367 : vector<256x256xf32>
    %mul3A_901 = arith.mulf %add3A_900, %concatenate3A_894 : vector<256x256xf32>
    %add3A_902 = arith.addf %add3A_892, %mul3A_901 : vector<256x256xf32>
    %div3A_903 = arith.divf %exp3A_796, %add3A_825 : vector<256x32xf32>
    %concatenate3A_904 = tpu.concatenate %div3A_903, %div3A_903, %div3A_903, %div3A_903, %div3A_903, %div3A_903, %div3A_903, %div3A_903 in 1 : vector<256x32xf32>, vector<256x32xf32>, vector<256x32xf32>, vector<256x32xf32>, vector<256x32xf32>, vector<256x32xf32>, vector<256x32xf32>, vector<256x32xf32> -> vector<256x256xf32>
    %get3A_905 = arith.constant 8 : index
    %get3A_906 = arith.constant 0 : index
    %get3A_907 = arith.constant 0 : index
    %get3A_908 = vector.load %arg2[%get3A_905, %get3A_906, %get3A_907] : memref<16x256x256xf32, #tpu.memory_space<vmem>>, vector<1x256x256xf32>
    %get3A_909 = vector.shape_cast %get3A_908 : vector<1x256x256xf32> to vector<256x256xf32>
    %add3A_910 = arith.addf %get3A_909, %add3A_413 : vector<256x256xf32>
    %mul3A_911 = arith.mulf %add3A_910, %concatenate3A_904 : vector<256x256xf32>
    %add3A_912 = arith.addf %add3A_902, %mul3A_911 : vector<256x256xf32>
    %div3A_913 = arith.divf %exp3A_798, %add3A_825 : vector<256x32xf32>
    %concatenate3A_914 = tpu.concatenate %div3A_913, %div3A_913, %div3A_913, %div3A_913, %div3A_913, %div3A_913, %div3A_913, %div3A_913 in 1 : vector<256x32xf32>, vector<256x32xf32>, vector<256x32xf32>, vector<256x32xf32>, vector<256x32xf32>, vector<256x32xf32>, vector<256x32xf32>, vector<256x32xf32> -> vector<256x256xf32>
    %get3A_915 = arith.constant 9 : index
    %get3A_916 = arith.constant 0 : index
    %get3A_917 = arith.constant 0 : index
    %get3A_918 = vector.load %arg2[%get3A_915, %get3A_916, %get3A_917] : memref<16x256x256xf32, #tpu.memory_space<vmem>>, vector<1x256x256xf32>
    %get3A_919 = vector.shape_cast %get3A_918 : vector<1x256x256xf32> to vector<256x256xf32>
    %add3A_920 = arith.addf %get3A_919, %add3A_459 : vector<256x256xf32>
    %mul3A_921 = arith.mulf %add3A_920, %concatenate3A_914 : vector<256x256xf32>
    %add3A_922 = arith.addf %add3A_912, %mul3A_921 : vector<256x256xf32>
    %div3A_923 = arith.divf %exp3A_800, %add3A_825 : vector<256x32xf32>
    %concatenate3A_924 = tpu.concatenate %div3A_923, %div3A_923, %div3A_923, %div3A_923, %div3A_923, %div3A_923, %div3A_923, %div3A_923 in 1 : vector<256x32xf32>, vector<256x32xf32>, vector<256x32xf32>, vector<256x32xf32>, vector<256x32xf32>, vector<256x32xf32>, vector<256x32xf32>, vector<256x32xf32> -> vector<256x256xf32>
    %get3A_925 = arith.constant 10 : index
    %get3A_926 = arith.constant 0 : index
    %get3A_927 = arith.constant 0 : index
    %get3A_928 = vector.load %arg2[%get3A_925, %get3A_926, %get3A_927] : memref<16x256x256xf32, #tpu.memory_space<vmem>>, vector<1x256x256xf32>
    %get3A_929 = vector.shape_cast %get3A_928 : vector<1x256x256xf32> to vector<256x256xf32>
    %add3A_930 = arith.addf %get3A_929, %add3A_505 : vector<256x256xf32>
    %mul3A_931 = arith.mulf %add3A_930, %concatenate3A_924 : vector<256x256xf32>
    %add3A_932 = arith.addf %add3A_922, %mul3A_931 : vector<256x256xf32>
    %div3A_933 = arith.divf %exp3A_802, %add3A_825 : vector<256x32xf32>
    %concatenate3A_934 = tpu.concatenate %div3A_933, %div3A_933, %div3A_933, %div3A_933, %div3A_933, %div3A_933, %div3A_933, %div3A_933 in 1 : vector<256x32xf32>, vector<256x32xf32>, vector<256x32xf32>, vector<256x32xf32>, vector<256x32xf32>, vector<256x32xf32>, vector<256x32xf32>, vector<256x32xf32> -> vector<256x256xf32>
    %get3A_935 = arith.constant 11 : index
    %get3A_936 = arith.constant 0 : index
    %get3A_937 = arith.constant 0 : index
    %get3A_938 = vector.load %arg2[%get3A_935, %get3A_936, %get3A_937] : memref<16x256x256xf32, #tpu.memory_space<vmem>>, vector<1x256x256xf32>
    %get3A_939 = vector.shape_cast %get3A_938 : vector<1x256x256xf32> to vector<256x256xf32>
    %add3A_940 = arith.addf %get3A_939, %add3A_551 : vector<256x256xf32>
    %mul3A_941 = arith.mulf %add3A_940, %concatenate3A_934 : vector<256x256xf32>
    %add3A_942 = arith.addf %add3A_932, %mul3A_941 : vector<256x256xf32>
    %div3A_943 = arith.divf %exp3A_804, %add3A_825 : vector<256x32xf32>
    %concatenate3A_944 = tpu.concatenate %div3A_943, %div3A_943, %div3A_943, %div3A_943, %div3A_943, %div3A_943, %div3A_943, %div3A_943 in 1 : vector<256x32xf32>, vector<256x32xf32>, vector<256x32xf32>, vector<256x32xf32>, vector<256x32xf32>, vector<256x32xf32>, vector<256x32xf32>, vector<256x32xf32> -> vector<256x256xf32>
    %get3A_945 = arith.constant 12 : index
    %get3A_946 = arith.constant 0 : index
    %get3A_947 = arith.constant 0 : index
    %get3A_948 = vector.load %arg2[%get3A_945, %get3A_946, %get3A_947] : memref<16x256x256xf32, #tpu.memory_space<vmem>>, vector<1x256x256xf32>
    %get3A_949 = vector.shape_cast %get3A_948 : vector<1x256x256xf32> to vector<256x256xf32>
    %add3A_950 = arith.addf %get3A_949, %add3A_597 : vector<256x256xf32>
    %mul3A_951 = arith.mulf %add3A_950, %concatenate3A_944 : vector<256x256xf32>
    %add3A_952 = arith.addf %add3A_942, %mul3A_951 : vector<256x256xf32>
    %div3A_953 = arith.divf %exp3A_806, %add3A_825 : vector<256x32xf32>
    %concatenate3A_954 = tpu.concatenate %div3A_953, %div3A_953, %div3A_953, %div3A_953, %div3A_953, %div3A_953, %div3A_953, %div3A_953 in 1 : vector<256x32xf32>, vector<256x32xf32>, vector<256x32xf32>, vector<256x32xf32>, vector<256x32xf32>, vector<256x32xf32>, vector<256x32xf32>, vector<256x32xf32> -> vector<256x256xf32>
    %get3A_955 = arith.constant 13 : index
    %get3A_956 = arith.constant 0 : index
    %get3A_957 = arith.constant 0 : index
    %get3A_958 = vector.load %arg2[%get3A_955, %get3A_956, %get3A_957] : memref<16x256x256xf32, #tpu.memory_space<vmem>>, vector<1x256x256xf32>
    %get3A_959 = vector.shape_cast %get3A_958 : vector<1x256x256xf32> to vector<256x256xf32>
    %add3A_960 = arith.addf %get3A_959, %add3A_643 : vector<256x256xf32>
    %mul3A_961 = arith.mulf %add3A_960, %concatenate3A_954 : vector<256x256xf32>
    %add3A_962 = arith.addf %add3A_952, %mul3A_961 : vector<256x256xf32>
    %div3A_963 = arith.divf %exp3A_808, %add3A_825 : vector<256x32xf32>
    %concatenate3A_964 = tpu.concatenate %div3A_963, %div3A_963, %div3A_963, %div3A_963, %div3A_963, %div3A_963, %div3A_963, %div3A_963 in 1 : vector<256x32xf32>, vector<256x32xf32>, vector<256x32xf32>, vector<256x32xf32>, vector<256x32xf32>, vector<256x32xf32>, vector<256x32xf32>, vector<256x32xf32> -> vector<256x256xf32>
    %get3A_965 = arith.constant 14 : index
    %get3A_966 = arith.constant 0 : index
    %get3A_967 = arith.constant 0 : index
    %get3A_968 = vector.load %arg2[%get3A_965, %get3A_966, %get3A_967] : memref<16x256x256xf32, #tpu.memory_space<vmem>>, vector<1x256x256xf32>
    %get3A_969 = vector.shape_cast %get3A_968 : vector<1x256x256xf32> to vector<256x256xf32>
    %add3A_970 = arith.addf %get3A_969, %add3A_689 : vector<256x256xf32>
    %mul3A_971 = arith.mulf %add3A_970, %concatenate3A_964 : vector<256x256xf32>
    %add3A_972 = arith.addf %add3A_962, %mul3A_971 : vector<256x256xf32>
    %div3A_973 = arith.divf %exp3A_810, %add3A_825 : vector<256x32xf32>
    %concatenate3A_974 = tpu.concatenate %div3A_973, %div3A_973, %div3A_973, %div3A_973, %div3A_973, %div3A_973, %div3A_973, %div3A_973 in 1 : vector<256x32xf32>, vector<256x32xf32>, vector<256x32xf32>, vector<256x32xf32>, vector<256x32xf32>, vector<256x32xf32>, vector<256x32xf32>, vector<256x32xf32> -> vector<256x256xf32>
    %get3A_975 = arith.constant 15 : index
    %get3A_976 = arith.constant 0 : index
    %get3A_977 = arith.constant 0 : index
    %get3A_978 = vector.load %arg2[%get3A_975, %get3A_976, %get3A_977] : memref<16x256x256xf32, #tpu.memory_space<vmem>>, vector<1x256x256xf32>
    %get3A_979 = vector.shape_cast %get3A_978 : vector<1x256x256xf32> to vector<256x256xf32>
    %add3A_980 = arith.addf %get3A_979, %add3A_735 : vector<256x256xf32>
    %mul3A_981 = arith.mulf %add3A_980, %concatenate3A_974 : vector<256x256xf32>
    %add3A_982 = arith.addf %add3A_972, %mul3A_981 : vector<256x256xf32>
    %swap3A = arith.constant 0 : index
    %swap3A_983 = arith.constant 0 : index
    %swap3A_984 = vector.load %arg16[%swap3A, %swap3A_983] : memref<256x256xf32, #tpu.memory_space<vmem>>, vector<256x256xf32>
    tpu.vector_store %arg16[%swap3A, %swap3A_983], %add3A_982 {strides = array<i32>} : memref<256x256xf32, #tpu.memory_space<vmem>>, vector<256x256xf32>,
    return
  }
  func.func @transform_0(%arg0: i32) -> (i32, i32, i32) {
    %c0_i32 = arith.constant 0 : i32
    %c0_i32_0 = arith.constant 0 : i32
    %c0_i32_1 = arith.constant 0 : i32
    return %c0_i32, %arg0, %c0_i32_0 : i32, i32, i32
  }
  func.func @transform_1(%arg0: i32) -> (i32, i32, i32) {
    %c0_i32 = arith.constant 0 : i32
    %c0_i32_0 = arith.constant 0 : i32
    %c0_i32_1 = arith.constant 0 : i32
    return %c0_i32, %arg0, %c0_i32_0 : i32, i32, i32
  }
  func.func @transform_2(%arg0: i32) -> (i32, i32, i32) {
    %c0_i32 = arith.constant 0 : i32
    %c0_i32_0 = arith.constant 0 : i32
    %c0_i32_1 = arith.constant 0 : i32
    return %c0_i32, %arg0, %c0_i32_0 : i32, i32, i32
  }
  func.func @transform_3(%arg0: i32) -> (i32, i32) {
    %c0_i32 = arith.constant 0 : i32
    %c0_i32_0 = arith.constant 0 : i32
    return %arg0, %c0_i32 : i32, i32
  }
  func.func @transform_4(%arg0: i32) -> (i32, i32) {
    %c0_i32 = arith.constant 0 : i32
    %c0_i32_0 = arith.constant 0 : i32
    return %arg0, %c0_i32 : i32, i32
  }
  func.func @transform_5(%arg0: i32) -> (i32, i32) {
    %c0_i32 = arith.constant 0 : i32
    %c0_i32_0 = arith.constant 0 : i32
    %c0_i32_1 = arith.constant 0 : i32
    return %c0_i32, %c0_i32_0 : i32, i32
  }
  func.func @transform_6(%arg0: i32) -> (i32, i32) {
    %c0_i32 = arith.constant 0 : i32
    %c0_i32_0 = arith.constant 0 : i32
    %c0_i32_1 = arith.constant 0 : i32
    return %c0_i32, %c0_i32_0 : i32, i32
  }
  func.func @transform_7(%arg0: i32) -> (i32, i32) {
    %c0_i32 = arith.constant 0 : i32
    %c0_i32_0 = arith.constant 0 : i32
    %c0_i32_1 = arith.constant 0 : i32
    return %c0_i32, %c0_i32_0 : i32, i32
  }
  func.func @transform_8(%arg0: i32) -> (i32, i32) {
    %c0_i32 = arith.constant 0 : i32
    %c0_i32_0 = arith.constant 0 : i32
    %c0_i32_1 = arith.constant 0 : i32
    return %c0_i32, %c0_i32_0 : i32, i32
  }
  func.func @transform_9(%arg0: i32) -> (i32, i32) {
    %c0_i32 = arith.constant 0 : i32
    %c0_i32_0 = arith.constant 0 : i32
    %c0_i32_1 = arith.constant 0 : i32
    return %c0_i32, %c0_i32_0 : i32, i32
  }
  func.func @transform_10(%arg0: i32) -> (i32, i32) {
    %c0_i32 = arith.constant 0 : i32
    %c0_i32_0 = arith.constant 0 : i32
    %c0_i32_1 = arith.constant 0 : i32
    return %c0_i32, %c0_i32_0 : i32, i32
  }
  func.func @transform_11(%arg0: i32) -> (i32, i32) {
    %c0_i32 = arith.constant 0 : i32
    %c0_i32_0 = arith.constant 0 : i32
    %c0_i32_1 = arith.constant 0 : i32
    return %c0_i32, %c0_i32_0 : i32, i32
  }
  func.func @transform_12(%arg0: i32) -> (i32, i32) {
    %c0_i32 = arith.constant 0 : i32
    %c0_i32_0 = arith.constant 0 : i32
    %c0_i32_1 = arith.constant 0 : i32
    return %c0_i32, %c0_i32_0 : i32, i32
  }
  func.func @transform_13(%arg0: i32) -> (i32, i32) {
    %c0_i32 = arith.constant 0 : i32
    %c0_i32_0 = arith.constant 0 : i32
    %c0_i32_1 = arith.constant 0 : i32
    return %c0_i32, %c0_i32_0 : i32, i32
  }
  func.func @transform_14(%arg0: i32) -> (i32, i32) {
    %c0_i32 = arith.constant 0 : i32
    %c0_i32_0 = arith.constant 0 : i32
    %c0_i32_1 = arith.constant 0 : i32
    return %c0_i32, %c0_i32_0 : i32, i32
  }
  func.func @transform_15(%arg0: i32) -> (i32, i32) {
    %c0_i32 = arith.constant 0 : i32
    %c0_i32_0 = arith.constant 0 : i32
    return %arg0, %c0_i32 : i32, i32
  }
}

</mosaic_0001>

<sc_bundles>
// kernel: kernel.12.cloned.1.call-start
scs
__scs_entry_jumppad:
0x0: {  	(pc) =	sbr.rel $0x88, $3  }
0x1: {  	(tag) =	ssettag $0x0;
	lr =	simm.s32 $0x1  }
0x2: {  	[smem:$0x3F85] =	sst lr;
	_ =	strace $0xD0000000  }
0x3: {  	_ = 	snop  }
0x4: {  	_ = 	snop  }
0x5: {  	_ = 	snop  }
0x6: {  	_ = 	snop  }
0x7: {  	_ = 	snop  }
__scs_overlays_trampoline_lowered:
0x8: {  	[smem:$0x3F94] =	sst s0  }
0x9: {  	[smem:$0x3F95] =	sst s1  }
0xa: {  	[smem:$0x3F96] =	sst s2  }
0xb: {  	[smem:$0x3F97] =	sst s3  }
0xc: {  	[smem:$0x3F98] =	sst s4  }
0xd: {  	[smem:$0x3F99] =	sst s5  }
0xe: {  	[smem:$0x3F9A] =	sst s6  }
0xf: {  	[smem:$0x3F9B] =	sst s7  }
0x10: {  	[smem:$0x3F9C] =	sst s8  }
0x11: {  	[smem:$0x3F9D] =	sst s9;
	s0 =	simm.s32 @!p0 $0x0  }
0x12: {  	s1 =	sld [smem:$0x3F83];
	s0 =	simm.s32 @p0 $0x1  }
0x13: {  	[smem:$0x3F9E] =	sst s0;
	s0 =	simm.s32 @!p1 $0x0  }
0x14: {  	s2 =	sld [smem:$0x3F82];
	s0 =	simm.s32 @p1 $0x1  }
0x15: {  	[smem:$0x3F9F] =	sst s0;
	s0 =	simm.s32 @!p2 $0x0  }
0x16: {  	s3 =	sld [smem:$0x3FDB];
	s0 =	simm.s32 @p2 $0x1  }
0x17: {  	s4 =	simm.s32 $0x1BF5;
	[smem:$0x3FA1] =	sst s0  }
0x18: {  	s0 =	sld [smem:$0x3F84];
	_ =	swait.ge [sflag:s4], $0x0  }
0x19: {  	s7 =	sld [smem:$0x3F85]  }
0x1a: {  	s8 =	sadd.s32 $0xFFFFE003, lr  }
0x1b: {  	s9 =	sadd.s32 $0xFFFFFEF7, lr;
	s5 =	simm.s32 $0xFFFFFFFF;
	p2 =	slt.u32 s8, $0xFFFFF086  }
0x1c: {  	p1 =	slt.u32 s9, $0xF7A;
	s5 =	simm.s32 @!p2 $0x0  }
0x1d: {  	s5 =	simm.s32 @p1 $0x1;
	p0 =	seq.s32 s7, s2  }
0x1e: {  	s7 =	smul.u32 @!p0 $0xF7A, s2;
	p2 =	seq.s32 @!p0 s5, $0x0  }
0x1f: {  	s9 =	smul.u32 $0xF7A, s1;
	s8 =	simm.s32 @!p0 $0x1BF5;
	p2 =	por !p2, p0  }
0x20: {  	[sflag:s8] =	ssyncset.s32 @!p0 $0xFFFFF086;
	s6 =	sadd.s32 @!p0 s3, s7;
	s7 =	simm.s32 @!p0 $0x108  }
0x21: {  	s3 =	sadd.s32 s3, s9;
	s6 =	sadd.s32 @!p0 $0x88, s6;
	s7 =	simm.s32 @p2 $0x1082  }
0x22: {  	[simem:s7], [sflag:s8] =	dma.local @!p0 [hbm:s6], $0xF7A  }
0x23: {  	s9 =	sor.u32 $0xD0000000, s2;
	s6 =	simm.s32 $0x108;
	_ =	swait.ge @!p0 [sflag:s8], $0x0  }
0x24: {  	s3 =	sadd.s32 $0x88, s3;
	s6 =	simm.s32 @!p1 $0x1082;
	[sflag:s4] =	ssyncset.s32 $0xFFFFF086  }
0x25: {  	[simem:s6], [sflag:s4] =	dma.local [hbm:s3], $0xF7A  }
0x26: {  	[smem:$0x3F85] =	sst s1;
	(tag) =	ssettag s2;
	_ =	strace s9  }
0x27: {  	s1 =	sld [smem:$0x3F95]  }
0x28: {  	s2 =	sld [smem:$0x3F96]  }
0x29: {  	s4 =	sld [smem:$0x3F98]  }
0x2a: {  	p0 =	seq.s32 s5, $0x0;
	s5 =	sld [smem:$0x3F99]  }
0x2b: {  	s6 =	sld [smem:$0x3F9A]  }
0x2c: {  	s7 =	sld [smem:$0x3F9B]  }
0x2d: {  	s3 =	simm.s32 $0x108;
	s8 =	sld [smem:$0x3F9C]  }
0x2e: {  	s3 =	simm.s32 @!p0 $0x1082;
	s9 =	sld [smem:$0x3F9D]  }
0x2f: {  	lr =	sadd.s32 s0, s3;
	s0 =	sld [smem:$0x3F94]  }
0x30: {  	s3 =	sld [smem:$0x3F97]  }
0x31: {  	[smem:$0x3FA0] =	sst s10  }
0x32: {  	s10 =	sld [smem:$0x3F9E];
	_ =	sdelay $0x3  }
0x33: {  	p0 =	seq.s32 s10, $0x1;
	s10 =	sld [smem:$0x3FA0];
	_ =	sdelay $0x3  }
0x34: {  	[smem:$0x3FA0] =	sst s10  }
0x35: {  	s10 =	sld [smem:$0x3F9F];
	_ =	sdelay $0x3  }
0x36: {  	p1 =	seq.s32 s10, $0x1;
	s10 =	sld [smem:$0x3FA0];
	_ =	sdelay $0x3  }
0x37: {  	[smem:$0x3FA0] =	sst s10  }
0x38: {  	s10 =	sld [smem:$0x3FA1]  }
0x39: {  	_ = 	snop;
	(pc) =	sbr.ind lr, $3  }
0x3a: {  	_ = 	snop  }
0x3b: {  	_ = 	snop  }
0x3c: {  	p2 =	seq.s32 s10, $0x1;
	s10 =	sld [smem:$0x3FA0]  }
0x3d: {  	_ =	shalt  }
0x3e: {  	_ =	shalt  }
0x3f: {  	_ =	shalt  }
0x40: {  	_ =	shalt  }
0x41: {  	_ =	shalt  }
0x42: {  	_ =	shalt  }
0x43: {  	_ =	shalt  }
0x44: {  	_ =	shalt  }
0x45: {  	_ =	shalt  }
0x46: {  	_ =	shalt  }
0x47: {  	_ =	shalt  }
0x48: {  	_ =	shalt  }
0x49: {  	_ =	shalt  }
0x4a: {  	_ =	shalt  }
0x4b: {  	_ =	shalt  }
0x4c: {  	_ =	shalt  }
0x4d: {  	_ =	shalt  }
0x4e: {  	_ =	shalt  }
0x4f: {  	_ =	shalt  }
0x50: {  	_ =	shalt  }
0x51: {  	_ =	shalt  }
0x52: {  	_ =	shalt  }
0x53: {  	_ =	shalt  }
0x54: {  	_ =	shalt  }
0x55: {  	_ =	shalt  }
0x56: {  	_ =	shalt  }
0x57: {  	_ =	shalt  }
0x58: {  	_ =	shalt  }
0x59: {  	_ =	shalt  }
0x5a: {  	_ =	shalt  }
0x5b: {  	_ =	shalt  }
0x5c: {  	_ =	shalt  }
0x5d: {  	_ =	shalt  }
0x5e: {  	_ =	shalt  }
0x5f: {  	_ =	shalt  }
0x60: {  	_ =	shalt  }
0x61: {  	_ =	shalt  }
0x62: {  	_ =	shalt  }
0x63: {  	_ =	shalt  }
0x64: {  	_ =	shalt  }
0x65: {  	_ =	shalt  }
0x66: {  	_ =	shalt  }
0x67: {  	_ =	shalt  }
0x68: {  	_ =	shalt  }
0x69: {  	_ =	shalt  }
0x6a: {  	_ =	shalt  }
0x6b: {  	_ =	shalt  }
0x6c: {  	_ =	shalt  }
0x6d: {  	_ =	shalt  }
0x6e: {  	_ =	shalt  }
0x6f: {  	_ =	shalt  }
0x70: {  	_ =	shalt  }
0x71: {  	_ =	shalt  }
0x72: {  	_ =	shalt  }
0x73: {  	_ =	shalt  }
0x74: {  	_ =	shalt  }
0x75: {  	_ =	shalt  }
0x76: {  	_ =	shalt  }
0x77: {  	_ =	shalt  }
0x78: {  	_ =	shalt  }
0x79: {  	_ =	shalt  }
0x7a: {  	_ =	shalt  }
0x7b: {  	_ =	shalt  }
0x7c: {  	_ =	shalt  }
0x7d: {  	_ =	shalt  }
0x7e: {  	_ =	shalt  }
0x7f: {  	_ =	shalt  }
0x80: {  	_ =	shalt  }
0x81: {  	_ =	shalt  }
0x82: {  	_ =	shalt  }
0x83: {  	_ =	shalt  }
0x84: {  	_ =	shalt  }
0x85: {  	_ =	shalt  }
0x86: {  	_ =	shalt  }
0x87: {  	_ =	shalt  }
.Lfunc_end0:
.L_simem_size_0:
called_computation.1_lowered:
.L_overlay_start_0:
0x88: {  	s2 =	sld [smem:$0x3FD9]  }
0x89: {  	s3 =	sld [smem:$0x3FFE];
	_ =	sdelay $0x1  }
0x8a: {  	s1 =	srdreg.scid  }
0x8b: {  	s0 =	sand.u32 $0x1, s1  }
0x8c: {  	s17 =	sshll.u32 s0, $0xA;
	s2 =	sadd.s32 s3, s2  }
0x8d: {  	s2 =	sadd.s32 s2, s17  }
0x8e: {  	[smem:$0x3FAC] =	sst s2  }
0x8f: {  	_ = 	snop  }
0x90: {  	s2 =	sld [smem:$0x3FD0];
	(tm) =	ssettm $0x1  }
0x91: {  	s18 =	sld [smem:$0x3FFB];
	_ =	sdelay $0x3  }
0x92: {  	_ =	strace s18  }
0x93: {  	s3 =	sld [smem:$0x3FFC];
	_ =	sdelay $0x3  }
0x94: {  	_ =	strace s3  }
0x95: {  	s3 =	sld [smem:$0x3FFD];
	_ =	sdelay $0x3  }
0x96: {  	_ =	strace s3  }
0x97: {  	_ =	strace $0x8FFFFFFF  }
0x98: {  	s19 =	sld [smem:$0x3FDB];
	_ =	sdelay $0x1  }
0x99: {  	s4 =	simm.s32 $_scs_section_size  }
0x9a: {  	s5 =	simm.s32 $_size__tile_overlayer_lowered;
	s6 =	simm.s32 $_tile_overlayer_lowered  }
0x9b: {  	s22 =	simm.s32 $0x1BFF;
	s21 =	sshll.u32 s6, $0x1;
	s3 =	sadd.s32 s4, s19  }
0x9c: {  	s7 =	simm.s32 $0x0;
	s20 =	sshll.u32 s5, $0x1;
	s5 =	sadd.s32 s21, s3  }
0x9d: {  	[timem:s7], [sflag:s22] =	dma.local [hbm:s5], s20  }
0x9e: {  	_ =	swait.ge [sflag:s22], s20  }
0x9f: {  	s4 =	ssub.s32 $0x0, s20;
	[sflag:s22] =	ssyncset.done $0x0  }
0xa0: {  	[sflag:s22] =	ssyncadd.s32 s4;
	_ =	sdelay $0x1  }
0xa1: {  	s23 =	simm.s32 $0x1B8B  }
0xa2: {  	_ =	swait.ge [sflag:s23], $0x1  }
0xa3: {  	[sflag:s23] =	ssyncset.done $0x0  }
0xa4: {  	s25 =	simm.s32 $0x1B8E;
	s24 =	sld [smem:$0x3FFE];
	[sflag:s23] =	ssyncadd.s32 $0xFFFFFFFF  }
0xa5: {  	s26 =	simm.s32 $execute0_lowered;
	[smem:$0x3FD2] =	sst s25  }
0xa6: {  	s5 =	sshll.u32 s26, $0x1;
	_ =	strace $0x80000046;
	[dreg:$0x1] =	wrdreg $0xFFFFFFFF  }
0xa7: {  	s28 =	simm.s32 $_size_execute0_lowered;
	s3 =	sadd.s32 s3, s5;
	[dreg:$0x0] =	wrdreg $0x0  }
0xa8: {  	s5 =	sshll.u32 s28, $0x1;
	[dreg:$0x2] =	wrdreg s3  }
0xa9: {  	[dreg:$0x3] =	wrdreg s5  }
0xaa: {  	[dreg:$0x4] =	wrdreg $0xC0  }
0xab: {  	_ =	task [dreg:s7], $0x5FFFF  }
0xac: {  	[dreg:$0x1] =	wrdreg $0xFFFFFFFF  }
0xad: {  	[dreg:$0x0] =	wrdreg $0x60  }
0xae: {  	[dreg:$0x2] =	wrdreg s24  }
0xaf: {  	[dreg:$0x3] =	wrdreg s2  }
0xb0: {  	[dreg:$0x4] =	wrdreg $0xA  }
0xb1: {  	_ =	task.clear_ibuf [dreg:s7], $0x5FFFF;
	_ =	strace $0x90000046  }
0xb2: {  	s29 =	simm.s32 $0xA;
	_ =	strace $0x80000048  }
0xb3: {  	_ =	swait.ge [sflag:s29], $0x1  }
0xb4: {  	[sflag:s29] =	ssyncadd.s32 $0xFFFFFFFF  }
0xb5: {  	_ =	strace $0x90000048  }
0xb6: {  	_ =	sfence  }
0xb7: {  	s30 =	sld [smem:$0x0];
	_ =	sdelay $0x2  }
0xb8: {  	s31 =	sshll.u32 s1, $0xD;
	s1 =	sshrl.u32 s1, $0x2  }
0xb9: {  	s3 =	sand.u32 $0x4000, s31;
	s1 =	sadd.s32 s1, s30  }
0xba: {  	s0 =	sor.u32 s3, s0;
	s1 =	sshll.u32 s1, $0x11  }
0xbb: {  	s0 =	sor.u32 s1, s0  }
0xbc: {  	s0 =	sadd.s32 $0x8F2B, s0  }
0xbd: {  	[sflag:s0] =	ssyncadd.remote.s32 $0x1  }
0xbe: {  	_ =	sfence.sel $0xFFFF  }
0xbf: {  	[dreg:$0x0] =	wrdreg $0xFFFFFFFF;
	(pc) =	sbr.abs _section_cstart, $3  }
0xc0: {  	[dreg:$0x1] =	wrdreg $0xFFFFFFFF  }
0xc1: {  	_ =	task.clear_ibuf [dreg:s7], $0x2FFFF;
	_ =	strace $0x9FFFFFFF  }
0xc2: {  	(tm) =	ssettm $0x7FFFFFFF  }
0xc3: {  	_ =	shalt  }
tec
execute0_lowered:
.L_overlay_start_1:
0x0: {  	(tag) =	ssettag $0x1  }
0x1: {  	s6 =	rddreg [dreg:$0x0]  }
0x2: {  	s2 =	rddreg [dreg:$0x1]  }
0x3: {  	s3 =	srdreg.scid;
	s0 =	rddreg [dreg:$0x2]  }
0x4: {  	s1 =	stileid.u32;
	s13 =	simm.s32 $0x8080;
	s14 =	simm.s32 $0x10080  }
0x5: {  	s15 =	simm.s32 $0x1;
	s16 =	simm.s32 $0x2;
	s17 =	simm.s32 $0x3  }
0x6: {  	s18 =	simm.s32 $0x0;
	s7 =	sand.u32 $0x1, s3;
	s3 =	simm.s32 $0x0  }
0x7: {  	s4 =	sshll.u32 s1, $0xC;
	s8 =	sshll.u32 s1, $0x11;
	s9 =	sshll.u32 s1, $0xD  }
0x8: {  	s5 =	sshll.u32 s7, $0xB;
	[smem:$0x7FF] =	sst s3;
	s8 =	sadd.s32 s8, s6  }
0x9: {  	s30 =	ssub.s32 $0x2, s7;
	s11 =	sshll.u32 s7, $0xC;
	s7 =	sshll.u32 s7, $0x10  }
0xa: {  	s4 =	sor.u32 s5, s4;
	_ =	strace $0x80000047;
	s5 =	sadd.s32 $0x7600, s6  }
0xb: {  	s12 =	sshrl.u32 s30, $0x1;
	s31 =	sadd.s32 s7, s8;
	s4 =	sshrl.u32 s4, $0x3  }
0xc: {  	s8 =	sadd.s32 $0x24D600, s31;
	s10 =	sadd.s32 s4, s6;
	s4 =	sadd.s32 $0xD600, s6  }
0xd: {  	s6 =	sadd.s32 s9, s6;
	s9 =	ssub.s32 s30, s12;
	s12 =	simm.s32 $0x80  }
0xe: {  	s6 =	sadd.s32 s11, s6;
	s7 =	smax.u32 s9, $0x1;
	s9 =	sadd.s32 $0x4D600, s31  }
0xf: {  	s10 =	sadd.s32 $0xB600, s10;
	s11 =	simm.s32 $0x4;
	s6 =	sadd.s32 $0x44D600, s6  }
.LBB2_1:
0x10: {  	[tilespmem:s3], [sflag:$0x4] =	stream.linear.gather [hbm4b:s10+s3], $0x80, $0x38;
	[tilespmem:$0x10880] =	vst v63  }
0x11: {  	_ =	swait.ge [sflag:s11], $0x80  }
0x12: {  	[sflag:s11] =	ssyncset.done $0x0  }
0x13: {  	[sflag:s11] =	ssyncadd.s32 $0xFFFFFF80  }
0x14: {  	[tilespmem:s12], [sflag:$0x1] =	stream.indirect.gather [hbm4b:s4+s12], $0x100, s3, s12, $0xb8;
	[tilespmem:$0x10880] =	vst v63  }
0x15: {  	_ = 	snop  }
0x16: {  	[tilespmem:s13], [sflag:$0x2] =	stream.indirect.gather [hbm4b:s2+s12], $0x100, s3, s12, $0xb8;
	[tilespmem:$0x10880] =	vst v63  }
0x17: {  	_ = 	snop  }
0x18: {  	[tilespmem:s14], [sflag:$0x3] =	stream.indirect.gather [hbm4b:s5+s12], $0x10, s3, s12, $0xb8;
	[tilespmem:$0x10880] =	vst v63  }
0x19: {  	_ =	swait.ge [sflag:s15], $0x8000  }
0x1a: {  	[sflag:s15] =	ssyncset.done $0x0  }
0x1b: {  	[sflag:s15] =	ssyncadd.s32 $0xFFFF8000  }
0x1c: {  	_ =	swait.ge [sflag:s16], $0x8000  }
0x1d: {  	[sflag:s16] =	ssyncset.done $0x0  }
0x1e: {  	[sflag:s16] =	ssyncadd.s32 $0xFFFF8000  }
0x1f: {  	_ =	swait.ge [sflag:s17], $0x800  }
0x20: {  	[sflag:s17] =	ssyncset.done $0x0  }
0x21: {  	s19 =	sadd.s32 $0x0, s9;
	[sflag:s17] =	ssyncadd.s32 $0xFFFFF800  }
0x22: {  	[hbm4b:s19+s3] =	stream.linear.scatter [tilespmem:s12], [sflag:$0x4], $0x8000, $0x38;
	[tilespmem:$0x10880] =	vst v63  }
0x23: {  	_ =	swait.ge [sflag:s11], $0x8000  }
0x24: {  	[sflag:s11] =	ssyncset.done $0x0  }
0x25: {  	s31 =	sadd.s32 $0x0, s8;
	[sflag:s11] =	ssyncadd.s32 $0xFFFF8000  }
0x26: {  	[hbm4b:s31+s3] =	stream.linear.scatter [tilespmem:s13], [sflag:$0x4], $0x8000, $0x38;
	[tilespmem:$0x10880] =	vst v63  }
0x27: {  	_ =	swait.ge [sflag:s11], $0x8000  }
0x28: {  	[sflag:s11] =	ssyncset.done $0x0  }
0x29: {  	[sflag:s11] =	ssyncadd.s32 $0xFFFF8000  }
0x2a: {  	[hbm4b:s6+s3] =	stream.linear.scatter [tilespmem:s14], [sflag:$0x4], $0x800, $0x38;
	[tilespmem:$0x10880] =	vst v63  }
0x2b: {  	s20 =	smov.u32 s6;
	_ =	swait.ge [sflag:s11], $0x800  }
0x2c: {  	s21 =	smov.u32 s10;
	s19 =	simm.s32 $0x1000;
	[sflag:s11] =	ssyncset.done $0x0  }
.LBB2_2:
0x2d: {  	[sflag:s11] =	ssyncadd.s32 $0xFFFFF800  }
0x2e: {  	s20 =	sadd.s32 $0x100, s20;
	s21 =	sadd.s32 $0x10, s21;
	s22 =	smov.u32 s19  }
0x2f: {  	[tilespmem:s3], [sflag:$0x4] =	stream.linear.gather [hbm4b:s21+s3], $0x80, $0x38;
	[tilespmem:$0x10880] =	vst v63  }
0x30: {  	p0 =	sne.s32 s19, $0xF000;
	s19 =	sadd.s32 $0x1000, s19;
	_ =	swait.ge [sflag:s11], $0x80  }
0x31: {  	[sflag:s11] =	ssyncset.done $0x0  }
0x32: {  	[sflag:s11] =	ssyncadd.s32 $0xFFFFFF80  }
0x33: {  	[tilespmem:s12], [sflag:$0x1] =	stream.indirect.gather [hbm4b:s4+s12], $0x100, s3, s12, $0xb8;
	[tilespmem:$0x10880] =	vst v63  }
0x34: {  	_ = 	snop  }
0x35: {  	[tilespmem:s13], [sflag:$0x2] =	stream.indirect.gather [hbm4b:s2+s12], $0x100, s3, s12, $0xb8;
	[tilespmem:$0x10880] =	vst v63  }
0x36: {  	_ = 	snop  }
0x37: {  	[tilespmem:s14], [sflag:$0x3] =	stream.indirect.gather [hbm4b:s5+s12], $0x10, s3, s12, $0xb8;
	[tilespmem:$0x10880] =	vst v63  }
0x38: {  	_ =	swait.ge [sflag:s15], $0x8000  }
0x39: {  	[sflag:s15] =	ssyncset.done $0x0  }
0x3a: {  	[sflag:s15] =	ssyncadd.s32 $0xFFFF8000  }
0x3b: {  	_ =	swait.ge [sflag:s16], $0x8000  }
0x3c: {  	[sflag:s16] =	ssyncset.done $0x0  }
0x3d: {  	[sflag:s16] =	ssyncadd.s32 $0xFFFF8000  }
0x3e: {  	_ =	swait.ge [sflag:s17], $0x800  }
0x3f: {  	[sflag:s17] =	ssyncset.done $0x0  }
0x40: {  	s23 =	sadd.s32 s22, s9;
	[sflag:s17] =	ssyncadd.s32 $0xFFFFF800  }
0x41: {  	[hbm4b:s23+s3] =	stream.linear.scatter [tilespmem:s12], [sflag:$0x4], $0x8000, $0x38;
	[tilespmem:$0x10880] =	vst v63  }
0x42: {  	_ =	swait.ge [sflag:s11], $0x8000  }
0x43: {  	[sflag:s11] =	ssyncset.done $0x0  }
0x44: {  	s22 =	sadd.s32 s22, s8;
	[sflag:s11] =	ssyncadd.s32 $0xFFFF8000  }
0x45: {  	[hbm4b:s22+s3] =	stream.linear.scatter [tilespmem:s13], [sflag:$0x4], $0x8000, $0x38;
	[tilespmem:$0x10880] =	vst v63  }
0x46: {  	_ =	swait.ge [sflag:s11], $0x8000  }
.Ltmp0:
0x47: {  	[sflag:s11] =	ssyncset.done $0x0;
	(pc) =	sbr.rel @p0 .LBB2_2-.Ltmp0, $4  }
0x48: {  	[sflag:s11] =	ssyncadd.s32 $0xFFFF8000  }
0x49: {  	[hbm4b:s20+s3] =	stream.linear.scatter [tilespmem:s14], [sflag:$0x4], $0x800, $0x38;
	[tilespmem:$0x10880] =	vst v63  }
0x4a: {  	_ =	swait.ge [sflag:s11], $0x800  }
0x4b: {  	[sflag:s11] =	ssyncset.done $0x0  }
0x4c: {  	s18 =	sadd.s32 $0x1, s18  }
0x4d: {  	p0 =	sne.s32 s18, s7  }
.Ltmp1:
0x4e: {  	_ = 	snop;
	(pc) =	sbr.rel @p0 .LBB2_1-.Ltmp1, $2  }
0x4f: {  	_ =	sdelay $0x2  }
0x50: {  	[sflag:s11] =	ssyncadd.s32 $0xFFFFF800  }
0x51: {  	_ =	sfence.sel $0x180000  }
0x52: {  	[bflag:$0x0] =	sbarrier.arrive $0xFFFF  }
0x53: {  	p0 =	sne.s32 s1, $0x0;
	_ =	strace $0x90000047  }
0x54: {  	s0 =	sadd.s32 @!p0 $0x100000, s0;
	[bflag:$0x2] =	sbarrier.arrive $0xFFFF  }
0x55: {  	[sflag:s0] =	ssyncadd.tile.s32 @!p0 $0x1;
	_ =	shalt  }
.Lfunc_end2:
_tile_overlayer_lowered:
.L_overlay_start_2:
0x56: {  	(tag) =	ssettag $0x2  }
0x57: {  	s0 =	rddreg [dreg:$0x0];
	s2 =	stileid.u32  }
0x58: {  	s1 =	rddreg [dreg:$0x1];
	p0 =	sne.s32 s2, $0x0  }
0x59: {  	s3 =	rddreg [dreg:$0x2];
	[bflag:$0x3] =	sbarrier.arrive $0xFFFF;
	s2 =	simm.s32 @!p0 $0x1C04  }
0x5a: {  	[timem:s3], [sflag:s2] =	dma.local @!p0 [hbm:s0], s1  }
0x5b: {  	s0 =	simm.s32 @!p0 $0x4  }
0x5c: {  	_ =	swait.ge @!p0 [sflag:s0], s1  }
0x5d: {  	s1 =	ssub.s32 @!p0 $0x0, s1;
	[sflag:s0] =	ssyncset.done @!p0 $0x0  }
0x5e: {  	[sflag:s0] =	ssyncadd.s32 @!p0 s1  }
0x5f: {  	[bflag:$0x3] =	sbarrier.arrive $0xFFFF  }
0x60: {  	_ =	shalt  }

// kernel: kernel.9.cloned.1.call-start
scs
__scs_entry_jumppad:
0x0: {  	(pc) =	sbr.rel $0x88, $3  }
0x1: {  	(tag) =	ssettag $0x0;
	lr =	simm.s32 $0x1  }
0x2: {  	[smem:$0x3F85] =	sst lr;
	_ =	strace $0xD0000000  }
0x3: {  	_ = 	snop  }
0x4: {  	_ = 	snop  }
0x5: {  	_ = 	snop  }
0x6: {  	_ = 	snop  }
0x7: {  	_ = 	snop  }
__scs_overlays_trampoline_lowered:
0x8: {  	[smem:$0x3F94] =	sst s0  }
0x9: {  	[smem:$0x3F95] =	sst s1  }
0xa: {  	[smem:$0x3F96] =	sst s2  }
0xb: {  	[smem:$0x3F97] =	sst s3  }
0xc: {  	[smem:$0x3F98] =	sst s4  }
0xd: {  	[smem:$0x3F99] =	sst s5  }
0xe: {  	[smem:$0x3F9A] =	sst s6  }
0xf: {  	[smem:$0x3F9B] =	sst s7  }
0x10: {  	[smem:$0x3F9C] =	sst s8  }
0x11: {  	[smem:$0x3F9D] =	sst s9;
	s0 =	simm.s32 @!p0 $0x0  }
0x12: {  	s1 =	sld [smem:$0x3F83];
	s0 =	simm.s32 @p0 $0x1  }
0x13: {  	[smem:$0x3F9E] =	sst s0;
	s0 =	simm.s32 @!p1 $0x0  }
0x14: {  	s2 =	sld [smem:$0x3F82];
	s0 =	simm.s32 @p1 $0x1  }
0x15: {  	[smem:$0x3F9F] =	sst s0;
	s0 =	simm.s32 @!p2 $0x0  }
0x16: {  	s3 =	sld [smem:$0x3FDB];
	s0 =	simm.s32 @p2 $0x1  }
0x17: {  	s4 =	simm.s32 $0x1BF5;
	[smem:$0x3FA1] =	sst s0  }
0x18: {  	s0 =	sld [smem:$0x3F84];
	_ =	swait.ge [sflag:s4], $0x0  }
0x19: {  	s7 =	sld [smem:$0x3F85]  }
0x1a: {  	s8 =	sadd.s32 $0xFFFFE003, lr  }
0x1b: {  	s9 =	sadd.s32 $0xFFFFFEF7, lr;
	s5 =	simm.s32 $0xFFFFFFFF;
	p2 =	slt.u32 s8, $0xFFFFF086  }
0x1c: {  	p1 =	slt.u32 s9, $0xF7A;
	s5 =	simm.s32 @!p2 $0x0  }
0x1d: {  	s5 =	simm.s32 @p1 $0x1;
	p0 =	seq.s32 s7, s2  }
0x1e: {  	s7 =	smul.u32 @!p0 $0xF7A, s2;
	p2 =	seq.s32 @!p0 s5, $0x0  }
0x1f: {  	s9 =	smul.u32 $0xF7A, s1;
	s8 =	simm.s32 @!p0 $0x1BF5;
	p2 =	por !p2, p0  }
0x20: {  	[sflag:s8] =	ssyncset.s32 @!p0 $0xFFFFF086;
	s6 =	sadd.s32 @!p0 s3, s7;
	s7 =	simm.s32 @!p0 $0x108  }
0x21: {  	s3 =	sadd.s32 s3, s9;
	s6 =	sadd.s32 @!p0 $0x88, s6;
	s7 =	simm.s32 @p2 $0x1082  }
0x22: {  	[simem:s7], [sflag:s8] =	dma.local @!p0 [hbm:s6], $0xF7A  }
0x23: {  	s9 =	sor.u32 $0xD0000000, s2;
	s6 =	simm.s32 $0x108;
	_ =	swait.ge @!p0 [sflag:s8], $0x0  }
0x24: {  	s3 =	sadd.s32 $0x88, s3;
	s6 =	simm.s32 @!p1 $0x1082;
	[sflag:s4] =	ssyncset.s32 $0xFFFFF086  }
0x25: {  	[simem:s6], [sflag:s4] =	dma.local [hbm:s3], $0xF7A  }
0x26: {  	[smem:$0x3F85] =	sst s1;
	(tag) =	ssettag s2;
	_ =	strace s9  }
0x27: {  	s1 =	sld [smem:$0x3F95]  }
0x28: {  	s2 =	sld [smem:$0x3F96]  }
0x29: {  	s4 =	sld [smem:$0x3F98]  }
0x2a: {  	p0 =	seq.s32 s5, $0x0;
	s5 =	sld [smem:$0x3F99]  }
0x2b: {  	s6 =	sld [smem:$0x3F9A]  }
0x2c: {  	s7 =	sld [smem:$0x3F9B]  }
0x2d: {  	s3 =	simm.s32 $0x108;
	s8 =	sld [smem:$0x3F9C]  }
0x2e: {  	s3 =	simm.s32 @!p0 $0x1082;
	s9 =	sld [smem:$0x3F9D]  }
0x2f: {  	lr =	sadd.s32 s0, s3;
	s0 =	sld [smem:$0x3F94]  }
0x30: {  	s3 =	sld [smem:$0x3F97]  }
0x31: {  	[smem:$0x3FA0] =	sst s10  }
0x32: {  	s10 =	sld [smem:$0x3F9E];
	_ =	sdelay $0x3  }
0x33: {  	p0 =	seq.s32 s10, $0x1;
	s10 =	sld [smem:$0x3FA0];
	_ =	sdelay $0x3  }
0x34: {  	[smem:$0x3FA0] =	sst s10  }
0x35: {  	s10 =	sld [smem:$0x3F9F];
	_ =	sdelay $0x3  }
0x36: {  	p1 =	seq.s32 s10, $0x1;
	s10 =	sld [smem:$0x3FA0];
	_ =	sdelay $0x3  }
0x37: {  	[smem:$0x3FA0] =	sst s10  }
0x38: {  	s10 =	sld [smem:$0x3FA1]  }
0x39: {  	_ = 	snop;
	(pc) =	sbr.ind lr, $3  }
0x3a: {  	_ = 	snop  }
0x3b: {  	_ = 	snop  }
0x3c: {  	p2 =	seq.s32 s10, $0x1;
	s10 =	sld [smem:$0x3FA0]  }
0x3d: {  	_ =	shalt  }
0x3e: {  	_ =	shalt  }
0x3f: {  	_ =	shalt  }
0x40: {  	_ =	shalt  }
0x41: {  	_ =	shalt  }
0x42: {  	_ =	shalt  }
0x43: {  	_ =	shalt  }
0x44: {  	_ =	shalt  }
0x45: {  	_ =	shalt  }
0x46: {  	_ =	shalt  }
0x47: {  	_ =	shalt  }
0x48: {  	_ =	shalt  }
0x49: {  	_ =	shalt  }
0x4a: {  	_ =	shalt  }
0x4b: {  	_ =	shalt  }
0x4c: {  	_ =	shalt  }
0x4d: {  	_ =	shalt  }
0x4e: {  	_ =	shalt  }
0x4f: {  	_ =	shalt  }
0x50: {  	_ =	shalt  }
0x51: {  	_ =	shalt  }
0x52: {  	_ =	shalt  }
0x53: {  	_ =	shalt  }
0x54: {  	_ =	shalt  }
0x55: {  	_ =	shalt  }
0x56: {  	_ =	shalt  }
0x57: {  	_ =	shalt  }
0x58: {  	_ =	shalt  }
0x59: {  	_ =	shalt  }
0x5a: {  	_ =	shalt  }
0x5b: {  	_ =	shalt  }
0x5c: {  	_ =	shalt  }
0x5d: {  	_ =	shalt  }
0x5e: {  	_ =	shalt  }
0x5f: {  	_ =	shalt  }
0x60: {  	_ =	shalt  }
0x61: {  	_ =	shalt  }
0x62: {  	_ =	shalt  }
0x63: {  	_ =	shalt  }
0x64: {  	_ =	shalt  }
0x65: {  	_ =	shalt  }
0x66: {  	_ =	shalt  }
0x67: {  	_ =	shalt  }
0x68: {  	_ =	shalt  }
0x69: {  	_ =	shalt  }
0x6a: {  	_ =	shalt  }
0x6b: {  	_ =	shalt  }
0x6c: {  	_ =	shalt  }
0x6d: {  	_ =	shalt  }
0x6e: {  	_ =	shalt  }
0x6f: {  	_ =	shalt  }
0x70: {  	_ =	shalt  }
0x71: {  	_ =	shalt  }
0x72: {  	_ =	shalt  }
0x73: {  	_ =	shalt  }
0x74: {  	_ =	shalt  }
0x75: {  	_ =	shalt  }
0x76: {  	_ =	shalt  }
0x77: {  	_ =	shalt  }
0x78: {  	_ =	shalt  }
0x79: {  	_ =	shalt  }
0x7a: {  	_ =	shalt  }
0x7b: {  	_ =	shalt  }
0x7c: {  	_ =	shalt  }
0x7d: {  	_ =	shalt  }
0x7e: {  	_ =	shalt  }
0x7f: {  	_ =	shalt  }
0x80: {  	_ =	shalt  }
0x81: {  	_ =	shalt  }
0x82: {  	_ =	shalt  }
0x83: {  	_ =	shalt  }
0x84: {  	_ =	shalt  }
0x85: {  	_ =	shalt  }
0x86: {  	_ =	shalt  }
0x87: {  	_ =	shalt  }
.Lfunc_end0:
.L_simem_size_0:
called_computation_lowered:
.L_overlay_start_0:
0x88: {  	s2 =	sld [smem:$0x3FD9]  }
0x89: {  	s3 =	sld [smem:$0x3FFE];
	_ =	sdelay $0x1  }
0x8a: {  	s1 =	srdreg.scid  }
0x8b: {  	s0 =	sand.u32 $0x1, s1  }
0x8c: {  	s17 =	sshll.u32 s0, $0xA;
	s2 =	sadd.s32 s3, s2  }
0x8d: {  	s2 =	sadd.s32 s2, s17  }
0x8e: {  	[smem:$0x3FAC] =	sst s2  }
0x8f: {  	_ = 	snop  }
0x90: {  	s18 =	sld [smem:$0x3FD0];
	(tm) =	ssettm $0x1  }
0x91: {  	s19 =	sld [smem:$0x3FFB];
	_ =	sdelay $0x3  }
0x92: {  	_ =	strace s19  }
0x93: {  	s2 =	sld [smem:$0x3FFC];
	_ =	sdelay $0x3  }
0x94: {  	_ =	strace s2  }
0x95: {  	s2 =	sld [smem:$0x3FFD];
	_ =	sdelay $0x3  }
0x96: {  	_ =	strace s2  }
0x97: {  	_ =	strace $0x8FFFFFFF  }
0x98: {  	s20 =	sld [smem:$0x3FDB];
	_ =	sdelay $0x1  }
0x99: {  	s4 =	simm.s32 $_scs_section_size  }
0x9a: {  	s5 =	simm.s32 $_size__tile_overlayer_lowered;
	s6 =	simm.s32 $_tile_overlayer_lowered  }
0x9b: {  	s7 =	simm.s32 $0x1BFF;
	s21 =	sshll.u32 s6, $0x1;
	s4 =	sadd.s32 s4, s20  }
0x9c: {  	s22 =	simm.s32 $0x0;
	s5 =	sshll.u32 s5, $0x1;
	s6 =	sadd.s32 s21, s4  }
0x9d: {  	[timem:s22], [sflag:s7] =	dma.local [hbm:s6], s5  }
0x9e: {  	_ =	swait.ge [sflag:s7], s5  }
0x9f: {  	s5 =	ssub.s32 $0x0, s5;
	[sflag:s7] =	ssyncset.done $0x0  }
0xa0: {  	[sflag:s7] =	ssyncadd.s32 s5;
	_ =	sdelay $0x1  }
0xa1: {  	s23 =	simm.s32 $0x1B8B  }
0xa2: {  	_ =	swait.ge [sflag:s23], $0x1  }
0xa3: {  	[sflag:s23] =	ssyncset.done $0x0  }
0xa4: {  	[sflag:s23] =	ssyncadd.s32 $0xFFFFFFFF  }
0xa5: {  	s5 =	sld [smem:$0x0]  }
0xa6: {  	s6 =	sand.u32 $0xFFFFFFFE, s1  }
0xa7: {  	p0 =	sne.s32 s1, s6  }
0xa8: {  	s6 =	sshll.u32 @p0 s6, $0xE  }
0xa9: {  	s6 =	sadd.s32 @p0 $0x11B8D, s6;
	s7 =	sshll.u32 @p0 s5, $0x11  }
0xaa: {  	s6 =	sor.u32 @p0 s7, s6  }
0xab: {  	[sflag:s6] =	ssyncadd.remote.s32 @p0 $0x1;
	_ =	sdelay $0x1  }
0xac: {  	s6 =	simm.s32 @p0 $0x1B8D  }
0xad: {  	_ =	swait.eq @p0 [sflag:s6], $0x1  }
0xae: {  	[sflag:s6] =	ssyncadd.s32 @p0 $0xFFFFFFFF  }
0xaf: {  	s7 =	sshll.u32 @!p0 s1, $0xE  }
0xb0: {  	s7 =	sor.u32 @!p0 $0x4000, s7;
	s6 =	simm.s32 @!p0 $0x1B8D  }
0xb1: {  	s5 =	sshll.u32 @!p0 s5, $0x11;
	s7 =	sadd.s32 @!p0 $0x11B8D, s7;
	_ =	swait.eq @!p0 [sflag:s6], $0x1  }
0xb2: {  	s5 =	sor.u32 @!p0 s5, s7;
	[sflag:s6] =	ssyncadd.s32 @!p0 $0xFFFFFFFF  }
0xb3: {  	s25 =	simm.s32 $0x1B8E;
	s24 =	sld [smem:$0x3FFE];
	[sflag:s5] =	ssyncadd.remote.s32 @!p0 $0x1  }
0xb4: {  	s26 =	simm.s32 $execute0_lowered;
	[smem:$0x3FD2] =	sst s25  }
0xb5: {  	s6 =	sshll.u32 s26, $0x1;
	_ =	strace $0x80000049;
	[dreg:$0x1] =	wrdreg $0xFFFFFFFF  }
0xb6: {  	s28 =	simm.s32 $_size_execute0_lowered;
	s4 =	sadd.s32 s4, s6;
	[dreg:$0x0] =	wrdreg $0x0  }
0xb7: {  	s6 =	sshll.u32 s28, $0x1;
	[dreg:$0x2] =	wrdreg s4  }
0xb8: {  	[dreg:$0x3] =	wrdreg s6  }
0xb9: {  	[dreg:$0x4] =	wrdreg $0xC0  }
0xba: {  	_ =	task [dreg:s22], $0x5FFFF  }
0xbb: {  	[dreg:$0x1] =	wrdreg $0xFFFFFFFF  }
0xbc: {  	[dreg:$0x0] =	wrdreg $0x60  }
0xbd: {  	[dreg:$0x2] =	wrdreg s24  }
0xbe: {  	[dreg:$0x3] =	wrdreg s18  }
0xbf: {  	[dreg:$0x4] =	wrdreg $0x9  }
0xc0: {  	_ =	task.clear_ibuf [dreg:s22], $0x5FFFF;
	_ =	strace $0x90000049  }
0xc1: {  	s29 =	simm.s32 $0x9;
	_ =	strace $0x8000004B  }
0xc2: {  	_ =	swait.ge [sflag:s29], $0x1  }
0xc3: {  	[sflag:s29] =	ssyncadd.s32 $0xFFFFFFFF  }
0xc4: {  	_ =	strace $0x9000004B  }
0xc5: {  	_ =	sfence  }
0xc6: {  	s30 =	sld [smem:$0x0];
	_ =	sdelay $0x2  }
0xc7: {  	s31 =	sshll.u32 s1, $0xD;
	s1 =	sshrl.u32 s1, $0x2  }
0xc8: {  	s4 =	sand.u32 $0x4000, s31;
	s1 =	sadd.s32 s1, s30  }
0xc9: {  	s0 =	sor.u32 s4, s0;
	s1 =	sshll.u32 s1, $0x11  }
0xca: {  	s0 =	sor.u32 s1, s0  }
0xcb: {  	s0 =	sadd.s32 $0x8F2B, s0  }
0xcc: {  	[sflag:s0] =	ssyncadd.remote.s32 $0x1  }
0xcd: {  	_ =	sfence.sel $0xFFFF  }
0xce: {  	[dreg:$0x0] =	wrdreg $0xFFFFFFFF;
	(pc) =	sbr.abs _section_cstart, $3  }
0xcf: {  	[dreg:$0x1] =	wrdreg $0xFFFFFFFF  }
0xd0: {  	_ =	task.clear_ibuf [dreg:s22], $0x2FFFF;
	_ =	strace $0x9FFFFFFF  }
0xd1: {  	(tm) =	ssettm $0x7FFFFFFF  }
tec
execute0_lowered:
.L_overlay_start_1:
0x0: {  	(tag) =	ssettag $0x1  }
0x1: {  	s6 =	rddreg [dreg:$0x0]  }
0x2: {  	s2 =	rddreg [dreg:$0x1]  }
0x3: {  	s3 =	srdreg.scid;
	s0 =	rddreg [dreg:$0x2]  }
0x4: {  	s1 =	stileid.u32;
	s13 =	simm.s32 $0x8080;
	s14 =	simm.s32 $0x10080  }
0x5: {  	s15 =	simm.s32 $0x1;
	s16 =	simm.s32 $0x2;
	s17 =	simm.s32 $0x3  }
0x6: {  	s18 =	simm.s32 $0x0;
	s7 =	sand.u32 $0x1, s3;
	s3 =	simm.s32 $0x0  }
0x7: {  	s4 =	sshll.u32 s1, $0xC;
	s8 =	sshll.u32 s1, $0x11;
	s9 =	sshll.u32 s1, $0xD  }
0x8: {  	s5 =	sshll.u32 s7, $0xB;
	[smem:$0x7FF] =	sst s3;
	s8 =	sadd.s32 s8, s6  }
0x9: {  	s30 =	ssub.s32 $0x2, s7;
	s11 =	sshll.u32 s7, $0xC;
	s7 =	sshll.u32 s7, $0x10  }
0xa: {  	s4 =	sor.u32 s5, s4;
	_ =	strace $0x8000004A;
	s5 =	sadd.s32 $0x7600, s6  }
0xb: {  	s12 =	sshrl.u32 s30, $0x1;
	s31 =	sadd.s32 s7, s8;
	s4 =	sshrl.u32 s4, $0x3  }
0xc: {  	s8 =	sadd.s32 $0x66F600, s31;
	s10 =	sadd.s32 s4, s6;
	s4 =	sadd.s32 $0xD600, s6  }
0xd: {  	s6 =	sadd.s32 s9, s6;
	s9 =	ssub.s32 s30, s12;
	s12 =	simm.s32 $0x80  }
0xe: {  	s6 =	sadd.s32 s11, s6;
	s7 =	smax.u32 s9, $0x1;
	s9 =	sadd.s32 $0x46F600, s31  }
0xf: {  	s10 =	sadd.s32 $0x46D600, s10;
	s11 =	simm.s32 $0x4;
	s6 =	sadd.s32 $0x86F600, s6  }
.LBB2_1:
0x10: {  	[tilespmem:s3], [sflag:$0x4] =	stream.linear.gather [hbm4b:s10+s3], $0x80, $0x38;
	[tilespmem:$0x10880] =	vst v63  }
0x11: {  	_ =	swait.ge [sflag:s11], $0x80  }
0x12: {  	[sflag:s11] =	ssyncset.done $0x0  }
0x13: {  	[sflag:s11] =	ssyncadd.s32 $0xFFFFFF80  }
0x14: {  	[tilespmem:s12], [sflag:$0x1] =	stream.indirect.gather [hbm4b:s4+s12], $0x100, s3, s12, $0xb8;
	[tilespmem:$0x10880] =	vst v63  }
0x15: {  	_ = 	snop  }
0x16: {  	[tilespmem:s13], [sflag:$0x2] =	stream.indirect.gather [hbm4b:s2+s12], $0x100, s3, s12, $0xb8;
	[tilespmem:$0x10880] =	vst v63  }
0x17: {  	_ = 	snop  }
0x18: {  	[tilespmem:s14], [sflag:$0x3] =	stream.indirect.gather [hbm4b:s5+s12], $0x10, s3, s12, $0xb8;
	[tilespmem:$0x10880] =	vst v63  }
0x19: {  	_ =	swait.ge [sflag:s15], $0x8000  }
0x1a: {  	[sflag:s15] =	ssyncset.done $0x0  }
0x1b: {  	[sflag:s15] =	ssyncadd.s32 $0xFFFF8000  }
0x1c: {  	_ =	swait.ge [sflag:s16], $0x8000  }
0x1d: {  	[sflag:s16] =	ssyncset.done $0x0  }
0x1e: {  	[sflag:s16] =	ssyncadd.s32 $0xFFFF8000  }
0x1f: {  	_ =	swait.ge [sflag:s17], $0x800  }
0x20: {  	[sflag:s17] =	ssyncset.done $0x0  }
0x21: {  	s19 =	sadd.s32 $0x0, s9;
	[sflag:s17] =	ssyncadd.s32 $0xFFFFF800  }
0x22: {  	[hbm4b:s19+s3] =	stream.linear.scatter [tilespmem:s12], [sflag:$0x4], $0x8000, $0x38;
	[tilespmem:$0x10880] =	vst v63  }
0x23: {  	_ =	swait.ge [sflag:s11], $0x8000  }
0x24: {  	[sflag:s11] =	ssyncset.done $0x0  }
0x25: {  	s31 =	sadd.s32 $0x0, s8;
	[sflag:s11] =	ssyncadd.s32 $0xFFFF8000  }
0x26: {  	[hbm4b:s31+s3] =	stream.linear.scatter [tilespmem:s13], [sflag:$0x4], $0x8000, $0x38;
	[tilespmem:$0x10880] =	vst v63  }
0x27: {  	_ =	swait.ge [sflag:s11], $0x8000  }
0x28: {  	[sflag:s11] =	ssyncset.done $0x0  }
0x29: {  	[sflag:s11] =	ssyncadd.s32 $0xFFFF8000  }
0x2a: {  	[hbm4b:s6+s3] =	stream.linear.scatter [tilespmem:s14], [sflag:$0x4], $0x800, $0x38;
	[tilespmem:$0x10880] =	vst v63  }
0x2b: {  	s20 =	smov.u32 s6;
	_ =	swait.ge [sflag:s11], $0x800  }
0x2c: {  	s21 =	smov.u32 s10;
	s19 =	simm.s32 $0x1000;
	[sflag:s11] =	ssyncset.done $0x0  }
.LBB2_2:
0x2d: {  	[sflag:s11] =	ssyncadd.s32 $0xFFFFF800  }
0x2e: {  	s20 =	sadd.s32 $0x100, s20;
	s21 =	sadd.s32 $0x10, s21;
	s22 =	smov.u32 s19  }
0x2f: {  	[tilespmem:s3], [sflag:$0x4] =	stream.linear.gather [hbm4b:s21+s3], $0x80, $0x38;
	[tilespmem:$0x10880] =	vst v63  }
0x30: {  	p0 =	sne.s32 s19, $0xF000;
	s19 =	sadd.s32 $0x1000, s19;
	_ =	swait.ge [sflag:s11], $0x80  }
0x31: {  	[sflag:s11] =	ssyncset.done $0x0  }
0x32: {  	[sflag:s11] =	ssyncadd.s32 $0xFFFFFF80  }
0x33: {  	[tilespmem:s12], [sflag:$0x1] =	stream.indirect.gather [hbm4b:s4+s12], $0x100, s3, s12, $0xb8;
	[tilespmem:$0x10880] =	vst v63  }
0x34: {  	_ = 	snop  }
0x35: {  	[tilespmem:s13], [sflag:$0x2] =	stream.indirect.gather [hbm4b:s2+s12], $0x100, s3, s12, $0xb8;
	[tilespmem:$0x10880] =	vst v63  }
0x36: {  	_ = 	snop  }
0x37: {  	[tilespmem:s14], [sflag:$0x3] =	stream.indirect.gather [hbm4b:s5+s12], $0x10, s3, s12, $0xb8;
	[tilespmem:$0x10880] =	vst v63  }
0x38: {  	_ =	swait.ge [sflag:s15], $0x8000  }
0x39: {  	[sflag:s15] =	ssyncset.done $0x0  }
0x3a: {  	[sflag:s15] =	ssyncadd.s32 $0xFFFF8000  }
0x3b: {  	_ =	swait.ge [sflag:s16], $0x8000  }
0x3c: {  	[sflag:s16] =	ssyncset.done $0x0  }
0x3d: {  	[sflag:s16] =	ssyncadd.s32 $0xFFFF8000  }
0x3e: {  	_ =	swait.ge [sflag:s17], $0x800  }
0x3f: {  	[sflag:s17] =	ssyncset.done $0x0  }
0x40: {  	s23 =	sadd.s32 s22, s9;
	[sflag:s17] =	ssyncadd.s32 $0xFFFFF800  }
0x41: {  	[hbm4b:s23+s3] =	stream.linear.scatter [tilespmem:s12], [sflag:$0x4], $0x8000, $0x38;
	[tilespmem:$0x10880] =	vst v63  }
0x42: {  	_ =	swait.ge [sflag:s11], $0x8000  }
0x43: {  	[sflag:s11] =	ssyncset.done $0x0  }
0x44: {  	s22 =	sadd.s32 s22, s8;
	[sflag:s11] =	ssyncadd.s32 $0xFFFF8000  }
0x45: {  	[hbm4b:s22+s3] =	stream.linear.scatter [tilespmem:s13], [sflag:$0x4], $0x8000, $0x38;
	[tilespmem:$0x10880] =	vst v63  }
0x46: {  	_ =	swait.ge [sflag:s11], $0x8000  }
.Ltmp0:
0x47: {  	[sflag:s11] =	ssyncset.done $0x0;
	(pc) =	sbr.rel @p0 .LBB2_2-.Ltmp0, $4  }
0x48: {  	[sflag:s11] =	ssyncadd.s32 $0xFFFF8000  }
0x49: {  	[hbm4b:s20+s3] =	stream.linear.scatter [tilespmem:s14], [sflag:$0x4], $0x800, $0x38;
	[tilespmem:$0x10880] =	vst v63  }
0x4a: {  	_ =	swait.ge [sflag:s11], $0x800  }
0x4b: {  	[sflag:s11] =	ssyncset.done $0x0  }
0x4c: {  	s18 =	sadd.s32 $0x1, s18  }
0x4d: {  	p0 =	sne.s32 s18, s7  }
.Ltmp1:
0x4e: {  	_ = 	snop;
	(pc) =	sbr.rel @p0 .LBB2_1-.Ltmp1, $2  }
0x4f: {  	_ =	sdelay $0x2  }
0x50: {  	[sflag:s11] =	ssyncadd.s32 $0xFFFFF800  }
0x51: {  	_ =	sfence.sel $0x180000  }
0x52: {  	[bflag:$0x0] =	sbarrier.arrive $0xFFFF  }
0x53: {  	p0 =	sne.s32 s1, $0x0;
	_ =	strace $0x9000004A  }
0x54: {  	s0 =	sadd.s32 @!p0 $0x100000, s0;
	[bflag:$0x2] =	sbarrier.arrive $0xFFFF  }
0x55: {  	[sflag:s0] =	ssyncadd.tile.s32 @!p0 $0x1;
	_ =	shalt  }
.Lfunc_end2:
_tile_overlayer_lowered:
.L_overlay_start_2:
0x56: {  	(tag) =	ssettag $0x2  }
0x57: {  	s0 =	rddreg [dreg:$0x0];
	s2 =	stileid.u32  }
0x58: {  	s1 =	rddreg [dreg:$0x1];
	p0 =	sne.s32 s2, $0x0  }
0x59: {  	s3 =	rddreg [dreg:$0x2];
	[bflag:$0x3] =	sbarrier.arrive $0xFFFF;
	s2 =	simm.s32 @!p0 $0x1C04  }
0x5a: {  	[timem:s3], [sflag:s2] =	dma.local @!p0 [hbm:s0], s1  }
0x5b: {  	s0 =	simm.s32 @!p0 $0x4  }
0x5c: {  	_ =	swait.ge @!p0 [sflag:s0], s1  }
0x5d: {  	s1 =	ssub.s32 @!p0 $0x0, s1;
	[sflag:s0] =	ssyncset.done @!p0 $0x0  }
0x5e: {  	[sflag:s0] =	ssyncadd.s32 @!p0 s1  }
0x5f: {  	[bflag:$0x3] =	sbarrier.arrive $0xFFFF  }
0x60: {  	_ =	shalt  }

</sc_bundles>
